<compile_context>
chip_gen: v7x
topology: tpu7x:2x2x1
jax: 0.10.2.dev20260603
libtpu: 0.0.44.dev20260713+nightly
codegen_flags: <defaults>
</compile_context>

<pallas_src>
import functools

import jax
import jax.numpy as jnp
from jax import lax
from jax.experimental import pallas as pl
from jax.experimental.pallas import tpu as pltpu
from jax.experimental.pallas import tpu_sc as plsc

NC = 2
NS = 16
CHUNK = 128



def _chunk_size(ept):
    for ch in range(128, 0, -8):
        if ept % ch == 0:
            return ch
    return 8


def _zero_acc(zer, acc, n, s, g=8):
    rpt = n // NS
    rpt_al = rpt if rpt % g == 0 else ((rpt + g - 1) // g) * g
    r0 = pl.multiple_of((s * rpt) // g * g, g)
    off = 0
    while off < rpt_al:
        ln = min(CHUNK, rpt_al - off)
        pltpu.sync_copy(zer.at[pl.ds(0, ln)], acc.at[pl.ds(r0 + off, ln)])
        off += ln
    return r0, rpt_al


def _agg_body(n, nch, depth, *refs):
    tbl, src2, dst2, zer, out, idxs, idxd = refs[:7]
    bufs = refs[7:7 + depth]
    acc = refs[7 + depth]
    sems = refs[8 + depth:8 + 2 * depth]
    ch = bufs[0].shape[0]

    c = lax.axis_index("c")
    s = lax.axis_index("s")
    w = s * NC + c

    r0, rpt_al = _zero_acc(zer, acc, n, s)
    plsc.subcore_barrier()

    pltpu.sync_copy(src2.at[w], idxs)
    pltpu.sync_copy(dst2.at[w], idxd)

    def gather(j, t):
        return pltpu.async_copy(tbl.at[idxs.at[pl.ds(j * ch, ch)]],
                                bufs[t], sems[t])

    def drain(j, t):
        pltpu.make_async_copy(tbl.at[idxs.at[pl.ds(j * ch, ch)]],
                              bufs[t], sems[t]).wait()

    for t in range(depth):
        if t < nch:
            gather(t, t)

    def step(i, _):
        base = depth * i
        for t in range(depth):
            j = base + t
            drain(j, t)
            pltpu.sync_copy(bufs[t], acc.at[idxd.at[pl.ds(j * ch, ch)]],
                            add=True)

            @pl.when(j + depth < nch)
            def _():
                gather(j + depth, t)
        return 0

    lax.fori_loop(0, nch // depth, step, 0)
    for j in range(nch - nch % depth, nch):
        t = j % depth
        drain(j, t)
        pltpu.sync_copy(bufs[t], acc.at[idxd.at[pl.ds(j * ch, ch)]],
                        add=True)

    plsc.subcore_barrier()
    pltpu.sync_copy(acc.at[pl.ds(r0, rpt_al)],
                    out.at[pl.ds(c * n + r0, rpt_al)])


def _deg_body(n, nch, *refs):
    (dst3, zer, ones, out, idxd, rows, acc, gsem) = refs

    c = lax.axis_index("c")
    s = lax.axis_index("s")
    w = s * NC + c

    r0, rpt_al = _zero_acc(zer, acc, n, s)
    pltpu.sync_copy(ones, rows)
    plsc.subcore_barrier()

    pltpu.sync_copy(dst3.at[w], idxd)

    def step(j, _):
        pltpu.async_copy(rows, acc.at[idxd.at[j]], gsem, add=True)
        return 0

    lax.fori_loop(0, nch, step, 0)

    def drain_step(j, _):
        pltpu.make_async_copy(rows, acc.at[idxd.at[j]], gsem).wait()
        return 0

    lax.fori_loop(0, nch, drain_step, 0)
    plsc.subcore_barrier()
    pltpu.sync_copy(acc.at[pl.ds(r0, rpt_al)],
                    out.at[pl.ds(c * n + r0, rpt_al)])


def _sc_segment_sum(table, src, dst, n):
    e = src.shape[0]
    width = table.shape[1]
    ept = e // (NC * NS)
    ch = _chunk_size(ept)
    nch = ept // ch
    src2 = src.reshape(NC * NS, ept)
    dst2 = dst.reshape(NC * NS, ept)
    mesh = plsc.VectorSubcoreMesh(core_axis_name="c", subcore_axis_name="s",
                                  num_cores=NC, num_subcores=NS)
    depth = 3 if width == 128 else 5
    body = functools.partial(_agg_body, n, nch, depth)
    fn = pl.kernel(
        body,
        out_type=jax.ShapeDtypeStruct((NC * n, width), jnp.float32),
        mesh=mesh,
        scratch_types=(
            [pltpu.VMEM((ept,), jnp.int32),
             pltpu.VMEM((ept,), jnp.int32)]
            + [pltpu.VMEM((ch, width), jnp.float32) for _ in range(depth)]
            + [pltpu.VMEM_SHARED((n, width), jnp.float32)]
            + [pltpu.SemaphoreType.DMA for _ in range(depth)]
        ),
        compiler_params=(None if width == 128 else
                         pltpu.CompilerParams(use_tc_tiling_on_sc=False)),
    )
    zer = jnp.zeros((CHUNK, width), jnp.float32)
    return fn(table, src2, dst2, zer).reshape(NC, n, width)


def _sc_degree(dst, n, width=32):
    e = dst.shape[0]
    ept = e // (NC * NS)
    ch = _chunk_size(ept)
    nch = ept // ch
    dst3 = dst.reshape(NC * NS, nch, ch)
    mesh = plsc.VectorSubcoreMesh(core_axis_name="c", subcore_axis_name="s",
                                  num_cores=NC, num_subcores=NS)
    body = functools.partial(_deg_body, n, nch)
    fn = pl.kernel(
        body,
        out_type=jax.ShapeDtypeStruct((NC * n, width), jnp.float32),
        mesh=mesh,
        scratch_types=[
            pltpu.VMEM((nch, ch), jnp.int32),
            pltpu.VMEM((ch, width), jnp.float32),
            pltpu.VMEM_SHARED((n, width), jnp.float32),
            pltpu.SemaphoreType.DMA,
        ],
        compiler_params=pltpu.CompilerParams(use_tc_tiling_on_sc=False),
    )
    zer = jnp.zeros((CHUNK, width), jnp.float32)
    ones = jnp.ones((ch, width), jnp.float32)
    return fn(dst3, zer, ones).reshape(NC, n, width)



def _tc_prep(deg_parts, features, W1):
    n, d = features.shape
    h = W1.shape[1]

    def body(p_ref, f_ref, w_ref, q_ref, nrm_ref):
        deg = (p_ref[0, :, 0:1].astype(jnp.float32)
               + p_ref[1, :, 0:1].astype(jnp.float32))
        nrm = lax.rsqrt(jnp.maximum(deg, 1.0))
        nrm_ref[...] = nrm
        q_ref[...] = jnp.dot(f_ref[...], w_ref[...],
                             preferred_element_type=jnp.float32) * nrm

    return pl.pallas_call(
        body,
        out_shape=(jax.ShapeDtypeStruct((n, h), jnp.float32),
                   jax.ShapeDtypeStruct((n, 1), jnp.float32)),
    )(deg_parts, features, W1)


def _tc_mid(agg_parts, norm, b1, W2):
    n = norm.shape[0]
    c = W2.shape[1]

    def body(p_ref, nrm_ref, b_ref, w_ref, z_ref):
        a = (p_ref[0] + p_ref[1]) * nrm_ref[...] + b_ref[...][None, :]
        x = jnp.where(a > 0, a, jnp.exp(a) - 1.0)
        z_ref[...] = jnp.dot(x, w_ref[...],
                             preferred_element_type=jnp.float32) * nrm_ref[...]

    return pl.pallas_call(
        body,
        out_shape=jax.ShapeDtypeStruct((n, c), jnp.float32),
    )(agg_parts, norm, b1, W2)


def _tc_out(agg_parts, norm, b2):
    n = norm.shape[0]
    c = b2.shape[0]

    def body(p_ref, nrm_ref, b_ref, o_ref):
        o_ref[...] = (p_ref[0] + p_ref[1]) * nrm_ref[...] + b_ref[...][None, :]

    return pl.pallas_call(
        body,
        out_shape=jax.ShapeDtypeStruct((n, c), jnp.float32),
    )(agg_parts, norm, b2)



def kernel(edge_index, features, W1, b1, W2, b2):
    n = features.shape[0]
    src = edge_index[0]
    dst = edge_index[1]

    deg_parts = _sc_degree(dst, n)
    q, norm = _tc_prep(deg_parts, features, W1)
    agg1 = _sc_segment_sum(q, src, dst, n)
    z = _tc_mid(agg1, norm, b1, W2)
    agg2 = _sc_segment_sum(z, src, dst, n)
    return _tc_out(agg2, norm, b2)

# --- scband reference (transcript-rebuilt; emitter-appended) ---
"""Pipeline reference for scband-dgl-sgc-18047452578214 (READ-ONLY COPY).

The authoritative reference and input builder live on the scoring server;
editing this copy changes nothing except your own understanding.
"""

import jax, jax.numpy as jnp
import numpy as np

N_NODES = 10000
N_EDGES = 320000
D_FEAT = 128
HIDDEN = 128
CLASSES = 64


def setup_inputs(seed: int = 0) -> dict:
    key = jax.random.key(seed)
    k1, k2, k3, k4 = jax.random.split(key, 4)
    features = jax.random.normal(k1, (N_NODES, D_FEAT), dtype=jnp.float32)
    edge_index = jax.random.randint(k2, (2, N_EDGES), 0, N_NODES, dtype=jnp.int32)
    # SGConv fc layers: torch.nn.Linear(in, out) -> store as [in, out] matrices
    W1 = jax.random.normal(k3, (D_FEAT, HIDDEN), dtype=jnp.float32) * (1.0 / np.sqrt(D_FEAT))
    b1 = jnp.zeros((HIDDEN,), dtype=jnp.float32)
    W2 = jax.random.normal(k4, (HIDDEN, CLASSES), dtype=jnp.float32) * (1.0 / np.sqrt(HIDDEN))
    b2 = jnp.zeros((CLASSES,), dtype=jnp.float32)
    return {"edge_index": edge_index, "features": features, "W1": W1, "b1": b1, "W2": W2, "b2": b2}


def _sgconv(feat, norm, src, dst, W, b, n):
    # DGL SGConv with k=1, symmetric normalization using in-degrees (clamped to 1):
    # feat = feat * D^{-1/2}; feat = A @ feat (copy_u -> sum over dst); feat = feat * D^{-1/2}; fc(feat)
    h = feat * norm
    agg = jax.ops.segment_sum(h[src], dst, num_segments=n)
    h = agg * norm
    return h @ W + b


def reference(edge_index, features, W1, b1, W2, b2):
    n = features.shape[0]
    src = edge_index[0]
    dst = edge_index[1]
    deg = jnp.bincount(dst, length=n).astype(jnp.float32)
    deg = jnp.clip(deg, 1.0)
    norm = (deg ** -0.5)[:, None]
    x = _sgconv(features, norm, src, dst, W1, b1, n)
    x = jax.nn.elu(x)
    x = _sgconv(x, norm, src, dst, W2, b2, n)
    return x

if __name__ == "__main__":
    import jax
    _d = setup_inputs()
    print(jax.jit(kernel)(*tuple(_d.values())))

</pallas_src>

<mosaic_0001>
#map = affine_map<(d0, d1) -> (0, 0)>
module attributes {stable_mosaic.version = 14 : i64} {
  func.func @_agg_body(%arg0: i32, %arg1: i32, %arg2: memref<10000x128xf32, #tpu.memory_space<hbm>>, %arg3: memref<32x10000xi32, #tpu.memory_space<hbm>>, %arg4: memref<32x10000xi32, #tpu.memory_space<hbm>>, %arg5: memref<128x128xf32, #tpu.memory_space<hbm>>, %arg6: memref<20000x128xf32, #tpu.memory_space<hbm>>, %arg7: memref<10000xi32, #tpu.memory_space<vmem>>, %arg8: memref<10000xi32, #tpu.memory_space<vmem>>, %arg9: memref<80x128xf32, #tpu.memory_space<vmem>>, %arg10: memref<80x128xf32, #tpu.memory_space<vmem>>, %arg11: memref<80x128xf32, #tpu.memory_space<vmem>>, %arg12: memref<10000x128xf32, #tpu.memory_space<vmem_shared>>, %arg13: memref<!tpu.dma_semaphore, #tpu.memory_space<semaphore_mem>>, %arg14: memref<!tpu.dma_semaphore, #tpu.memory_space<semaphore_mem>>, %arg15: memref<!tpu.dma_semaphore, #tpu.memory_space<semaphore_mem>>) attributes {dimension_semantics = [#tpu.dimension_semantics<core_parallel>, #tpu.dimension_semantics<subcore_parallel>], iteration_bounds = array<i64: 2, 16>, scalar_prefetch = 0 : i64, scratch_operands = 9 : i64, tpu.core_type = #tpu.core_type<sc_vector_subcore>, window_params = [{transform_indices = #map}, {transform_indices = #map}, {transform_indices = #map}, {transform_indices = #map}, {transform_indices = #map}]} {
    %mul3A = arith.constant 2 : i32
    %mul3A_0 = arith.muli %arg1, %mul3A : i32
    %add3A = arith.addi %mul3A_0, %arg0 : i32
    %mul3A_1 = arith.constant 625 : i32
    %mul3A_2 = arith.muli %arg1, %mul3A_1 : i32
    %jit3A = arith.constant 8 : i32
    %div3A = arith.divsi %mul3A_2, %jit3A : i32
    %sign3A = arith.constant 0 : i32
    %sign3A_3 = arith.cmpi sgt, %mul3A_2, %sign3A : i32
    %sign3A_4 = arith.extui %sign3A_3 : i1 to i32
    %sign3A_5 = arith.constant 0 : i32
    %sign3A_6 = arith.cmpi slt, %mul3A_2, %sign3A_5 : i32
    %sign3A_7 = arith.extui %sign3A_6 : i1 to i32
    %sign3A_8 = arith.subi %sign3A_4, %sign3A_7 : i32
    %sign3A_9 = arith.constant 0 : i32
    %sign3A_10 = arith.cmpi sgt, %jit3A, %sign3A_9 : i32
    %sign3A_11 = arith.extui %sign3A_10 : i1 to i32
    %sign3A_12 = arith.constant 0 : i32
    %sign3A_13 = arith.cmpi slt, %jit3A, %sign3A_12 : i32
    %sign3A_14 = arith.extui %sign3A_13 : i1 to i32
    %sign3A_15 = arith.subi %sign3A_11, %sign3A_14 : i32
    %ne3A = arith.cmpi ne, %sign3A_8, %sign3A_15 : i32
    %rem3A = arith.remsi %mul3A_2, %jit3A : i32
    %ne3A_16 = arith.constant 0 : i32
    %ne3A_17 = arith.cmpi ne, %rem3A, %ne3A_16 : i32
    %and3A = arith.andi %ne3A, %ne3A_17 : i1
    %sub3A = arith.constant 1 : i32
    %sub3A_18 = arith.subi %div3A, %sub3A : i32
    %select_n3A = arith.select %and3A, %sub3A_18, %div3A : i32
    %mul3A_19 = arith.constant 8 : i32
    %mul3A_20 = arith.muli %select_n3A, %mul3A_19 : i32
    %multiple_of3A = tpu.assume_multiple %mul3A_20, 8 : i32
    %add3A_21 = arith.constant 0 : i32
    %add3A_22 = arith.addi %multiple_of3A, %add3A_21 : i32
    "tpu.region"() ({
      %run_scoped3A = tpu.sem_alloc : memref<!tpu.dma_semaphore, #tpu.memory_space<semaphore_mem>>
      %dma_start3A_64 = arith.constant 0 : i32
      %dma_start3A_65 = tpu.memref_slice %arg12[%add3A_22, %dma_start3A_64] : memref<10000x128xf32, #tpu.memory_space<vmem_shared>> -> memref<128x128xf32, #tpu.memory_space<vmem_shared>>
      %dma_start3A_66 = arith.constant 0 : i32
      %dma_start3A_67 = arith.constant 0 : i32
      %dma_start3A_68 = tpu.memref_slice %arg5[%dma_start3A_66, %dma_start3A_67] : memref<128x128xf32, #tpu.memory_space<hbm>> -> memref<128x128xf32, #tpu.memory_space<hbm>>
      tpu.enqueue_dma source(%dma_start3A_68 : memref<128x128xf32, #tpu.memory_space<hbm>>) target(%dma_start3A_65 : memref<128x128xf32, #tpu.memory_space<vmem_shared>>) target_semaphore(%run_scoped3A : memref<!tpu.dma_semaphore, #tpu.memory_space<semaphore_mem>>)
      %dma_wait3A_69 = arith.constant 0 : i32
      %dma_wait3A_70 = tpu.memref_slice %arg12[%add3A_22, %dma_wait3A_69] : memref<10000x128xf32, #tpu.memory_space<vmem_shared>> -> memref<128x128xf32, #tpu.memory_space<vmem_shared>>
      %dma_wait3A_71 = arith.constant 0 : i32
      %dma_wait3A_72 = arith.constant 0 : i32
      %dma_wait3A_73 = tpu.memref_slice %arg5[%dma_wait3A_71, %dma_wait3A_72] : memref<128x128xf32, #tpu.memory_space<hbm>> -> memref<128x128xf32, #tpu.memory_space<hbm>>
      tpu.wait_dma2 semaphore(%run_scoped3A : memref<!tpu.dma_semaphore, #tpu.memory_space<semaphore_mem>>) src(%dma_wait3A_73 : memref<128x128xf32, #tpu.memory_space<hbm>>) dst(%dma_wait3A_70 : memref<128x128xf32, #tpu.memory_space<vmem_shared>>)
      tpu.yield
    }) : () -> ()
    %add3A_23 = arith.constant 128 : i32
    %add3A_24 = arith.addi %multiple_of3A, %add3A_23 : i32
    "tpu.region"() ({
      %run_scoped3A = tpu.sem_alloc : memref<!tpu.dma_semaphore, #tpu.memory_space<semaphore_mem>>
      %dma_start3A_64 = arith.constant 0 : i32
      %dma_start3A_65 = tpu.memref_slice %arg12[%add3A_24, %dma_start3A_64] : memref<10000x128xf32, #tpu.memory_space<vmem_shared>> -> memref<128x128xf32, #tpu.memory_space<vmem_shared>>
      %dma_start3A_66 = arith.constant 0 : i32
      %dma_start3A_67 = arith.constant 0 : i32
      %dma_start3A_68 = tpu.memref_slice %arg5[%dma_start3A_66, %dma_start3A_67] : memref<128x128xf32, #tpu.memory_space<hbm>> -> memref<128x128xf32, #tpu.memory_space<hbm>>
      tpu.enqueue_dma source(%dma_start3A_68 : memref<128x128xf32, #tpu.memory_space<hbm>>) target(%dma_start3A_65 : memref<128x128xf32, #tpu.memory_space<vmem_shared>>) target_semaphore(%run_scoped3A : memref<!tpu.dma_semaphore, #tpu.memory_space<semaphore_mem>>)
      %dma_wait3A_69 = arith.constant 0 : i32
      %dma_wait3A_70 = tpu.memref_slice %arg12[%add3A_24, %dma_wait3A_69] : memref<10000x128xf32, #tpu.memory_space<vmem_shared>> -> memref<128x128xf32, #tpu.memory_space<vmem_shared>>
      %dma_wait3A_71 = arith.constant 0 : i32
      %dma_wait3A_72 = arith.constant 0 : i32
      %dma_wait3A_73 = tpu.memref_slice %arg5[%dma_wait3A_71, %dma_wait3A_72] : memref<128x128xf32, #tpu.memory_space<hbm>> -> memref<128x128xf32, #tpu.memory_space<hbm>>
      tpu.wait_dma2 semaphore(%run_scoped3A : memref<!tpu.dma_semaphore, #tpu.memory_space<semaphore_mem>>) src(%dma_wait3A_73 : memref<128x128xf32, #tpu.memory_space<hbm>>) dst(%dma_wait3A_70 : memref<128x128xf32, #tpu.memory_space<vmem_shared>>)
      tpu.yield
    }) : () -> ()
    %add3A_25 = arith.constant 256 : i32
    %add3A_26 = arith.addi %multiple_of3A, %add3A_25 : i32
    "tpu.region"() ({
      %run_scoped3A = tpu.sem_alloc : memref<!tpu.dma_semaphore, #tpu.memory_space<semaphore_mem>>
      %dma_start3A_64 = arith.constant 0 : i32
      %dma_start3A_65 = tpu.memref_slice %arg12[%add3A_26, %dma_start3A_64] : memref<10000x128xf32, #tpu.memory_space<vmem_shared>> -> memref<128x128xf32, #tpu.memory_space<vmem_shared>>
      %dma_start3A_66 = arith.constant 0 : i32
      %dma_start3A_67 = arith.constant 0 : i32
      %dma_start3A_68 = tpu.memref_slice %arg5[%dma_start3A_66, %dma_start3A_67] : memref<128x128xf32, #tpu.memory_space<hbm>> -> memref<128x128xf32, #tpu.memory_space<hbm>>
      tpu.enqueue_dma source(%dma_start3A_68 : memref<128x128xf32, #tpu.memory_space<hbm>>) target(%dma_start3A_65 : memref<128x128xf32, #tpu.memory_space<vmem_shared>>) target_semaphore(%run_scoped3A : memref<!tpu.dma_semaphore, #tpu.memory_space<semaphore_mem>>)
      %dma_wait3A_69 = arith.constant 0 : i32
      %dma_wait3A_70 = tpu.memref_slice %arg12[%add3A_26, %dma_wait3A_69] : memref<10000x128xf32, #tpu.memory_space<vmem_shared>> -> memref<128x128xf32, #tpu.memory_space<vmem_shared>>
      %dma_wait3A_71 = arith.constant 0 : i32
      %dma_wait3A_72 = arith.constant 0 : i32
      %dma_wait3A_73 = tpu.memref_slice %arg5[%dma_wait3A_71, %dma_wait3A_72] : memref<128x128xf32, #tpu.memory_space<hbm>> -> memref<128x128xf32, #tpu.memory_space<hbm>>
      tpu.wait_dma2 semaphore(%run_scoped3A : memref<!tpu.dma_semaphore, #tpu.memory_space<semaphore_mem>>) src(%dma_wait3A_73 : memref<128x128xf32, #tpu.memory_space<hbm>>) dst(%dma_wait3A_70 : memref<128x128xf32, #tpu.memory_space<vmem_shared>>)
      tpu.yield
    }) : () -> ()
    %add3A_27 = arith.constant 384 : i32
    %add3A_28 = arith.addi %multiple_of3A, %add3A_27 : i32
    "tpu.region"() ({
      %run_scoped3A = tpu.sem_alloc : memref<!tpu.dma_semaphore, #tpu.memory_space<semaphore_mem>>
      %dma_start3A_64 = arith.constant 0 : i32
      %dma_start3A_65 = tpu.memref_slice %arg12[%add3A_28, %dma_start3A_64] : memref<10000x128xf32, #tpu.memory_space<vmem_shared>> -> memref<128x128xf32, #tpu.memory_space<vmem_shared>>
      %dma_start3A_66 = arith.constant 0 : i32
      %dma_start3A_67 = arith.constant 0 : i32
      %dma_start3A_68 = tpu.memref_slice %arg5[%dma_start3A_66, %dma_start3A_67] : memref<128x128xf32, #tpu.memory_space<hbm>> -> memref<128x128xf32, #tpu.memory_space<hbm>>
      tpu.enqueue_dma source(%dma_start3A_68 : memref<128x128xf32, #tpu.memory_space<hbm>>) target(%dma_start3A_65 : memref<128x128xf32, #tpu.memory_space<vmem_shared>>) target_semaphore(%run_scoped3A : memref<!tpu.dma_semaphore, #tpu.memory_space<semaphore_mem>>)
      %dma_wait3A_69 = arith.constant 0 : i32
      %dma_wait3A_70 = tpu.memref_slice %arg12[%add3A_28, %dma_wait3A_69] : memref<10000x128xf32, #tpu.memory_space<vmem_shared>> -> memref<128x128xf32, #tpu.memory_space<vmem_shared>>
      %dma_wait3A_71 = arith.constant 0 : i32
      %dma_wait3A_72 = arith.constant 0 : i32
      %dma_wait3A_73 = tpu.memref_slice %arg5[%dma_wait3A_71, %dma_wait3A_72] : memref<128x128xf32, #tpu.memory_space<hbm>> -> memref<128x128xf32, #tpu.memory_space<hbm>>
      tpu.wait_dma2 semaphore(%run_scoped3A : memref<!tpu.dma_semaphore, #tpu.memory_space<semaphore_mem>>) src(%dma_wait3A_73 : memref<128x128xf32, #tpu.memory_space<hbm>>) dst(%dma_wait3A_70 : memref<128x128xf32, #tpu.memory_space<vmem_shared>>)
      tpu.yield
    }) : () -> ()
    %add3A_29 = arith.constant 512 : i32
    %add3A_30 = arith.addi %multiple_of3A, %add3A_29 : i32
    "tpu.region"() ({
      %run_scoped3A = tpu.sem_alloc : memref<!tpu.dma_semaphore, #tpu.memory_space<semaphore_mem>>
      %dma_start3A_64 = arith.constant 0 : i32
      %dma_start3A_65 = tpu.memref_slice %arg12[%add3A_30, %dma_start3A_64] : memref<10000x128xf32, #tpu.memory_space<vmem_shared>> -> memref<120x128xf32, #tpu.memory_space<vmem_shared>>
      %dma_start3A_66 = arith.constant 0 : i32
      %dma_start3A_67 = arith.constant 0 : i32
      %dma_start3A_68 = tpu.memref_slice %arg5[%dma_start3A_66, %dma_start3A_67] : memref<128x128xf32, #tpu.memory_space<hbm>> -> memref<120x128xf32, #tpu.memory_space<hbm>>
      tpu.enqueue_dma source(%dma_start3A_68 : memref<120x128xf32, #tpu.memory_space<hbm>>) target(%dma_start3A_65 : memref<120x128xf32, #tpu.memory_space<vmem_shared>>) target_semaphore(%run_scoped3A : memref<!tpu.dma_semaphore, #tpu.memory_space<semaphore_mem>>)
      %dma_wait3A_69 = arith.constant 0 : i32
      %dma_wait3A_70 = tpu.memref_slice %arg12[%add3A_30, %dma_wait3A_69] : memref<10000x128xf32, #tpu.memory_space<vmem_shared>> -> memref<120x128xf32, #tpu.memory_space<vmem_shared>>
      %dma_wait3A_71 = arith.constant 0 : i32
      %dma_wait3A_72 = arith.constant 0 : i32
      %dma_wait3A_73 = tpu.memref_slice %arg5[%dma_wait3A_71, %dma_wait3A_72] : memref<128x128xf32, #tpu.memory_space<hbm>> -> memref<120x128xf32, #tpu.memory_space<hbm>>
      tpu.wait_dma2 semaphore(%run_scoped3A : memref<!tpu.dma_semaphore, #tpu.memory_space<semaphore_mem>>) src(%dma_wait3A_73 : memref<120x128xf32, #tpu.memory_space<hbm>>) dst(%dma_wait3A_70 : memref<120x128xf32, #tpu.memory_space<vmem_shared>>)
      tpu.yield
    }) : () -> ()
    %barrier3A = arith.constant 0 : index
    tpu.barrier barrier_id(%barrier3A)
    "tpu.region"() ({
      %run_scoped3A = tpu.sem_alloc : memref<!tpu.dma_semaphore, #tpu.memory_space<semaphore_mem>>
      %dma_start3A_64 = arith.constant 0 : i32
      %dma_start3A_65 = tpu.memref_slice %arg3[%add3A, %dma_start3A_64] : memref<32x10000xi32, #tpu.memory_space<hbm>> -> memref<1x10000xi32, #tpu.memory_space<hbm>>
      %dma_start3A_66 = tpu.memref_squeeze %dma_start3A_65 : memref<1x10000xi32, #tpu.memory_space<hbm>> -> memref<10000xi32, #tpu.memory_space<hbm>>
      %dma_start3A_67 = arith.constant 0 : i32
      %dma_start3A_68 = tpu.memref_slice %arg3[%add3A, %dma_start3A_67] : memref<32x10000xi32, #tpu.memory_space<hbm>> -> memref<1x10000xi32, #tpu.memory_space<hbm>>
      %dma_start3A_69 = tpu.memref_squeeze %dma_start3A_68 : memref<1x10000xi32, #tpu.memory_space<hbm>> -> memref<10000xi32, #tpu.memory_space<hbm>>
      tpu.enqueue_dma source(%dma_start3A_69 : memref<10000xi32, #tpu.memory_space<hbm>>) target(%arg7 : memref<10000xi32, #tpu.memory_space<vmem>>) target_semaphore(%run_scoped3A : memref<!tpu.dma_semaphore, #tpu.memory_space<semaphore_mem>>)
      %dma_wait3A_70 = arith.constant 0 : i32
      %dma_wait3A_71 = tpu.memref_slice %arg3[%add3A, %dma_wait3A_70] : memref<32x10000xi32, #tpu.memory_space<hbm>> -> memref<1x10000xi32, #tpu.memory_space<hbm>>
      %dma_wait3A_72 = tpu.memref_squeeze %dma_wait3A_71 : memref<1x10000xi32, #tpu.memory_space<hbm>> -> memref<10000xi32, #tpu.memory_space<hbm>>
      %dma_wait3A_73 = arith.constant 0 : i32
      %dma_wait3A_74 = tpu.memref_slice %arg3[%add3A, %dma_wait3A_73] : memref<32x10000xi32, #tpu.memory_space<hbm>> -> memref<1x10000xi32, #tpu.memory_space<hbm>>
      %dma_wait3A_75 = tpu.memref_squeeze %dma_wait3A_74 : memref<1x10000xi32, #tpu.memory_space<hbm>> -> memref<10000xi32, #tpu.memory_space<hbm>>
      tpu.wait_dma2 semaphore(%run_scoped3A : memref<!tpu.dma_semaphore, #tpu.memory_space<semaphore_mem>>) src(%dma_wait3A_75 : memref<10000xi32, #tpu.memory_space<hbm>>) dst(%arg7 : memref<10000xi32, #tpu.memory_space<vmem>>)
      tpu.yield
    }) : () -> ()
    "tpu.region"() ({
      %run_scoped3A = tpu.sem_alloc : memref<!tpu.dma_semaphore, #tpu.memory_space<semaphore_mem>>
      %dma_start3A_64 = arith.constant 0 : i32
      %dma_start3A_65 = tpu.memref_slice %arg4[%add3A, %dma_start3A_64] : memref<32x10000xi32, #tpu.memory_space<hbm>> -> memref<1x10000xi32, #tpu.memory_space<hbm>>
      %dma_start3A_66 = tpu.memref_squeeze %dma_start3A_65 : memref<1x10000xi32, #tpu.memory_space<hbm>> -> memref<10000xi32, #tpu.memory_space<hbm>>
      %dma_start3A_67 = arith.constant 0 : i32
      %dma_start3A_68 = tpu.memref_slice %arg4[%add3A, %dma_start3A_67] : memref<32x10000xi32, #tpu.memory_space<hbm>> -> memref<1x10000xi32, #tpu.memory_space<hbm>>
      %dma_start3A_69 = tpu.memref_squeeze %dma_start3A_68 : memref<1x10000xi32, #tpu.memory_space<hbm>> -> memref<10000xi32, #tpu.memory_space<hbm>>
      tpu.enqueue_dma source(%dma_start3A_69 : memref<10000xi32, #tpu.memory_space<hbm>>) target(%arg8 : memref<10000xi32, #tpu.memory_space<vmem>>) target_semaphore(%run_scoped3A : memref<!tpu.dma_semaphore, #tpu.memory_space<semaphore_mem>>)
      %dma_wait3A_70 = arith.constant 0 : i32
      %dma_wait3A_71 = tpu.memref_slice %arg4[%add3A, %dma_wait3A_70] : memref<32x10000xi32, #tpu.memory_space<hbm>> -> memref<1x10000xi32, #tpu.memory_space<hbm>>
      %dma_wait3A_72 = tpu.memref_squeeze %dma_wait3A_71 : memref<1x10000xi32, #tpu.memory_space<hbm>> -> memref<10000xi32, #tpu.memory_space<hbm>>
      %dma_wait3A_73 = arith.constant 0 : i32
      %dma_wait3A_74 = tpu.memref_slice %arg4[%add3A, %dma_wait3A_73] : memref<32x10000xi32, #tpu.memory_space<hbm>> -> memref<1x10000xi32, #tpu.memory_space<hbm>>
      %dma_wait3A_75 = tpu.memref_squeeze %dma_wait3A_74 : memref<1x10000xi32, #tpu.memory_space<hbm>> -> memref<10000xi32, #tpu.memory_space<hbm>>
      tpu.wait_dma2 semaphore(%run_scoped3A : memref<!tpu.dma_semaphore, #tpu.memory_space<semaphore_mem>>) src(%dma_wait3A_75 : memref<10000xi32, #tpu.memory_space<hbm>>) dst(%arg8 : memref<10000xi32, #tpu.memory_space<vmem>>)
      tpu.yield
    }) : () -> ()
    %dma_start3A = arith.constant 0 : i32
    %dma_start3A_31 = tpu.memref_slice %arg7[%dma_start3A] : memref<10000xi32, #tpu.memory_space<vmem>> -> memref<80xi32, #tpu.memory_space<vmem>>
    %dma_start3A_32 = arith.constant 0 : i32
    %dma_start3A_33 = arith.constant 0 : i32
    %dma_start3A_34 = tpu.memref_slice %arg2[%dma_start3A_32, %dma_start3A_33] : memref<10000x128xf32, #tpu.memory_space<hbm>> -> memref<10000x128xf32, #tpu.memory_space<hbm>>
    tpu.enqueue_indirect_dma source(%dma_start3A_34 : memref<10000x128xf32, #tpu.memory_space<hbm>>) target(%arg9 : memref<80x128xf32, #tpu.memory_space<vmem>>) offsets(%dma_start3A_31 : memref<80xi32, #tpu.memory_space<vmem>>) semaphore(%arg13 : memref<!tpu.dma_semaphore, #tpu.memory_space<semaphore_mem>>)
    %dma_start3A_35 = arith.constant 80 : i32
    %dma_start3A_36 = tpu.memref_slice %arg7[%dma_start3A_35] : memref<10000xi32, #tpu.memory_space<vmem>> -> memref<80xi32, #tpu.memory_space<vmem>>
    %dma_start3A_37 = arith.constant 0 : i32
    %dma_start3A_38 = arith.constant 0 : i32
    %dma_start3A_39 = tpu.memref_slice %arg2[%dma_start3A_37, %dma_start3A_38] : memref<10000x128xf32, #tpu.memory_space<hbm>> -> memref<10000x128xf32, #tpu.memory_space<hbm>>
    tpu.enqueue_indirect_dma source(%dma_start3A_39 : memref<10000x128xf32, #tpu.memory_space<hbm>>) target(%arg10 : memref<80x128xf32, #tpu.memory_space<vmem>>) offsets(%dma_start3A_36 : memref<80xi32, #tpu.memory_space<vmem>>) semaphore(%arg14 : memref<!tpu.dma_semaphore, #tpu.memory_space<semaphore_mem>>)
    %dma_start3A_40 = arith.constant 160 : i32
    %dma_start3A_41 = tpu.memref_slice %arg7[%dma_start3A_40] : memref<10000xi32, #tpu.memory_space<vmem>> -> memref<80xi32, #tpu.memory_space<vmem>>
    %dma_start3A_42 = arith.constant 0 : i32
    %dma_start3A_43 = arith.constant 0 : i32
    %dma_start3A_44 = tpu.memref_slice %arg2[%dma_start3A_42, %dma_start3A_43] : memref<10000x128xf32, #tpu.memory_space<hbm>> -> memref<10000x128xf32, #tpu.memory_space<hbm>>
    tpu.enqueue_indirect_dma source(%dma_start3A_44 : memref<10000x128xf32, #tpu.memory_space<hbm>>) target(%arg11 : memref<80x128xf32, #tpu.memory_space<vmem>>) offsets(%dma_start3A_41 : memref<80xi32, #tpu.memory_space<vmem>>) semaphore(%arg15 : memref<!tpu.dma_semaphore, #tpu.memory_space<semaphore_mem>>)
    %scan3A = arith.constant 0 : i32
    %scan3A_45 = arith.constant 0 : i32
    %scan3A_46 = arith.constant 41 : i32
    %scan3A_47 = arith.addi %scan3A_45, %scan3A_46 : i32
    %scan3A_48 = arith.constant 1 : i32
    %scan3A_49 = scf.for %scan3A_64 = %scan3A_45 to %scan3A_47 step %scan3A_48 iter_args(%scan3A_65 = %scan3A) -> (i32)  : i32 {
      %mul3A_66 = arith.constant 3 : i32
      %mul3A_67 = arith.muli %mul3A_66, %scan3A_64 : i32
      %add3A_68 = arith.constant 0 : i32
      %add3A_69 = arith.addi %mul3A_67, %add3A_68 : i32
      %mul3A_70 = arith.constant 80 : i32
      %mul3A_71 = arith.muli %add3A_69, %mul3A_70 : i32
      %dma_wait3A_72 = tpu.memref_slice %arg7[%mul3A_71] : memref<10000xi32, #tpu.memory_space<vmem>> -> memref<80xi32, #tpu.memory_space<vmem>>
      %dma_wait3A_73 = arith.constant 0 : i32
      %dma_wait3A_74 = arith.constant 0 : i32
      %dma_wait3A_75 = tpu.memref_slice %arg2[%dma_wait3A_73, %dma_wait3A_74] : memref<10000x128xf32, #tpu.memory_space<hbm>> -> memref<10000x128xf32, #tpu.memory_space<hbm>>
      tpu.wait_indirect_dma semaphore(%arg13 : memref<!tpu.dma_semaphore, #tpu.memory_space<semaphore_mem>>) src(%dma_wait3A_75 : memref<10000x128xf32, #tpu.memory_space<hbm>>) dst(%arg9 : memref<80x128xf32, #tpu.memory_space<vmem>>)
      %mul3A_76 = arith.constant 80 : i32
      %mul3A_77 = arith.muli %add3A_69, %mul3A_76 : i32
      "tpu.region"() ({
        %run_scoped3A = tpu.sem_alloc : memref<!tpu.dma_semaphore, #tpu.memory_space<semaphore_mem>>
        %dma_start3A_117 = tpu.memref_slice %arg8[%mul3A_77] : memref<10000xi32, #tpu.memory_space<vmem>> -> memref<80xi32, #tpu.memory_space<vmem>>
        %dma_start3A_118 = arith.constant 0 : i32
        %dma_start3A_119 = arith.constant 0 : i32
        %dma_start3A_120 = tpu.memref_slice %arg12[%dma_start3A_118, %dma_start3A_119] : memref<10000x128xf32, #tpu.memory_space<vmem_shared>> -> memref<10000x128xf32, #tpu.memory_space<vmem_shared>>
        tpu.enqueue_indirect_dma source(%arg9 : memref<80x128xf32, #tpu.memory_space<vmem>>) target(%dma_start3A_120 : memref<10000x128xf32, #tpu.memory_space<vmem_shared>>) offsets(%dma_start3A_117 : memref<80xi32, #tpu.memory_space<vmem>>) semaphore(%run_scoped3A : memref<!tpu.dma_semaphore, #tpu.memory_space<semaphore_mem>>) {add = true}
        %dma_wait3A_121 = tpu.memref_slice %arg8[%mul3A_77] : memref<10000xi32, #tpu.memory_space<vmem>> -> memref<80xi32, #tpu.memory_space<vmem>>
        %dma_wait3A_122 = arith.constant 0 : i32
        %dma_wait3A_123 = arith.constant 0 : i32
        %dma_wait3A_124 = tpu.memref_slice %arg12[%dma_wait3A_122, %dma_wait3A_123] : memref<10000x128xf32, #tpu.memory_space<vmem_shared>> -> memref<10000x128xf32, #tpu.memory_space<vmem_shared>>
        tpu.wait_indirect_dma semaphore(%run_scoped3A : memref<!tpu.dma_semaphore, #tpu.memory_space<semaphore_mem>>) src(%arg9 : memref<80x128xf32, #tpu.memory_space<vmem>>) dst(%dma_wait3A_124 : memref<10000x128xf32, #tpu.memory_space<vmem_shared>>)
        tpu.yield
      }) : () -> ()
      %add3A_78 = arith.constant 3 : i32
      %add3A_79 = arith.addi %add3A_69, %add3A_78 : i32
      %lt3A = arith.constant 125 : i32
      %lt3A_80 = arith.cmpi slt, %add3A_79, %lt3A : i32
      %convert_element_type3A = arith.extui %lt3A_80 : i1 to i32
      %cond3A = arith.constant 0 : i32
      %cond3A_81 = arith.cmpi ne, %convert_element_type3A, %cond3A : i32
      scf.if %cond3A_81 {
        %add3A_117 = arith.constant 3 : i32
        %add3A_118 = arith.addi %add3A_69, %add3A_117 : i32
        %mul3A_119 = arith.constant 80 : i32
        %mul3A_120 = arith.muli %add3A_118, %mul3A_119 : i32
        %dma_start3A_121 = tpu.memref_slice %arg7[%mul3A_120] : memref<10000xi32, #tpu.memory_space<vmem>> -> memref<80xi32, #tpu.memory_space<vmem>>
        %dma_start3A_122 = arith.constant 0 : i32
        %dma_start3A_123 = arith.constant 0 : i32
        %dma_start3A_124 = tpu.memref_slice %arg2[%dma_start3A_122, %dma_start3A_123] : memref<10000x128xf32, #tpu.memory_space<hbm>> -> memref<10000x128xf32, #tpu.memory_space<hbm>>
        tpu.enqueue_indirect_dma source(%dma_start3A_124 : memref<10000x128xf32, #tpu.memory_space<hbm>>) target(%arg9 : memref<80x128xf32, #tpu.memory_space<vmem>>) offsets(%dma_start3A_121 : memref<80xi32, #tpu.memory_space<vmem>>) semaphore(%arg13 : memref<!tpu.dma_semaphore, #tpu.memory_space<semaphore_mem>>)
      } else {
      }
      %add3A_82 = arith.constant 1 : i32
      %add3A_83 = arith.addi %mul3A_67, %add3A_82 : i32
      %mul3A_84 = arith.constant 80 : i32
      %mul3A_85 = arith.muli %add3A_83, %mul3A_84 : i32
      %dma_wait3A_86 = tpu.memref_slice %arg7[%mul3A_85] : memref<10000xi32, #tpu.memory_space<vmem>> -> memref<80xi32, #tpu.memory_space<vmem>>
      %dma_wait3A_87 = arith.constant 0 : i32
      %dma_wait3A_88 = arith.constant 0 : i32
      %dma_wait3A_89 = tpu.memref_slice %arg2[%dma_wait3A_87, %dma_wait3A_88] : memref<10000x128xf32, #tpu.memory_space<hbm>> -> memref<10000x128xf32, #tpu.memory_space<hbm>>
      tpu.wait_indirect_dma semaphore(%arg14 : memref<!tpu.dma_semaphore, #tpu.memory_space<semaphore_mem>>) src(%dma_wait3A_89 : memref<10000x128xf32, #tpu.memory_space<hbm>>) dst(%arg10 : memref<80x128xf32, #tpu.memory_space<vmem>>)
      %mul3A_90 = arith.constant 80 : i32
      %mul3A_91 = arith.muli %add3A_83, %mul3A_90 : i32
      "tpu.region"() ({
        %run_scoped3A = tpu.sem_alloc : memref<!tpu.dma_semaphore, #tpu.memory_space<semaphore_mem>>
        %dma_start3A_117 = tpu.memref_slice %arg8[%mul3A_91] : memref<10000xi32, #tpu.memory_space<vmem>> -> memref<80xi32, #tpu.memory_space<vmem>>
        %dma_start3A_118 = arith.constant 0 : i32
        %dma_start3A_119 = arith.constant 0 : i32
        %dma_start3A_120 = tpu.memref_slice %arg12[%dma_start3A_118, %dma_start3A_119] : memref<10000x128xf32, #tpu.memory_space<vmem_shared>> -> memref<10000x128xf32, #tpu.memory_space<vmem_shared>>
        tpu.enqueue_indirect_dma source(%arg10 : memref<80x128xf32, #tpu.memory_space<vmem>>) target(%dma_start3A_120 : memref<10000x128xf32, #tpu.memory_space<vmem_shared>>) offsets(%dma_start3A_117 : memref<80xi32, #tpu.memory_space<vmem>>) semaphore(%run_scoped3A : memref<!tpu.dma_semaphore, #tpu.memory_space<semaphore_mem>>) {add = true}
        %dma_wait3A_121 = tpu.memref_slice %arg8[%mul3A_91] : memref<10000xi32, #tpu.memory_space<vmem>> -> memref<80xi32, #tpu.memory_space<vmem>>
        %dma_wait3A_122 = arith.constant 0 : i32
        %dma_wait3A_123 = arith.constant 0 : i32
        %dma_wait3A_124 = tpu.memref_slice %arg12[%dma_wait3A_122, %dma_wait3A_123] : memref<10000x128xf32, #tpu.memory_space<vmem_shared>> -> memref<10000x128xf32, #tpu.memory_space<vmem_shared>>
        tpu.wait_indirect_dma semaphore(%run_scoped3A : memref<!tpu.dma_semaphore, #tpu.memory_space<semaphore_mem>>) src(%arg10 : memref<80x128xf32, #tpu.memory_space<vmem>>) dst(%dma_wait3A_124 : memref<10000x128xf32, #tpu.memory_space<vmem_shared>>)
        tpu.yield
      }) : () -> ()
      %add3A_92 = arith.constant 3 : i32
      %add3A_93 = arith.addi %add3A_83, %add3A_92 : i32
      %lt3A_94 = arith.constant 125 : i32
      %lt3A_95 = arith.cmpi slt, %add3A_93, %lt3A_94 : i32
      %convert_element_type3A_96 = arith.extui %lt3A_95 : i1 to i32
      %cond3A_97 = arith.constant 0 : i32
      %cond3A_98 = arith.cmpi ne, %convert_element_type3A_96, %cond3A_97 : i32
      scf.if %cond3A_98 {
        %add3A_117 = arith.constant 3 : i32
        %add3A_118 = arith.addi %add3A_83, %add3A_117 : i32
        %mul3A_119 = arith.constant 80 : i32
        %mul3A_120 = arith.muli %add3A_118, %mul3A_119 : i32
        %dma_start3A_121 = tpu.memref_slice %arg7[%mul3A_120] : memref<10000xi32, #tpu.memory_space<vmem>> -> memref<80xi32, #tpu.memory_space<vmem>>
        %dma_start3A_122 = arith.constant 0 : i32
        %dma_start3A_123 = arith.constant 0 : i32
        %dma_start3A_124 = tpu.memref_slice %arg2[%dma_start3A_122, %dma_start3A_123] : memref<10000x128xf32, #tpu.memory_space<hbm>> -> memref<10000x128xf32, #tpu.memory_space<hbm>>
        tpu.enqueue_indirect_dma source(%dma_start3A_124 : memref<10000x128xf32, #tpu.memory_space<hbm>>) target(%arg10 : memref<80x128xf32, #tpu.memory_space<vmem>>) offsets(%dma_start3A_121 : memref<80xi32, #tpu.memory_space<vmem>>) semaphore(%arg14 : memref<!tpu.dma_semaphore, #tpu.memory_space<semaphore_mem>>)
      } else {
      }
      %add3A_99 = arith.constant 2 : i32
      %add3A_100 = arith.addi %mul3A_67, %add3A_99 : i32
      %mul3A_101 = arith.constant 80 : i32
      %mul3A_102 = arith.muli %add3A_100, %mul3A_101 : i32
      %dma_wait3A_103 = tpu.memref_slice %arg7[%mul3A_102] : memref<10000xi32, #tpu.memory_space<vmem>> -> memref<80xi32, #tpu.memory_space<vmem>>
      %dma_wait3A_104 = arith.constant 0 : i32
      %dma_wait3A_105 = arith.constant 0 : i32
      %dma_wait3A_106 = tpu.memref_slice %arg2[%dma_wait3A_104, %dma_wait3A_105] : memref<10000x128xf32, #tpu.memory_space<hbm>> -> memref<10000x128xf32, #tpu.memory_space<hbm>>
      tpu.wait_indirect_dma semaphore(%arg15 : memref<!tpu.dma_semaphore, #tpu.memory_space<semaphore_mem>>) src(%dma_wait3A_106 : memref<10000x128xf32, #tpu.memory_space<hbm>>) dst(%arg11 : memref<80x128xf32, #tpu.memory_space<vmem>>)
      %mul3A_107 = arith.constant 80 : i32
      %mul3A_108 = arith.muli %add3A_100, %mul3A_107 : i32
      "tpu.region"() ({
        %run_scoped3A = tpu.sem_alloc : memref<!tpu.dma_semaphore, #tpu.memory_space<semaphore_mem>>
        %dma_start3A_117 = tpu.memref_slice %arg8[%mul3A_108] : memref<10000xi32, #tpu.memory_space<vmem>> -> memref<80xi32, #tpu.memory_space<vmem>>
        %dma_start3A_118 = arith.constant 0 : i32
        %dma_start3A_119 = arith.constant 0 : i32
        %dma_start3A_120 = tpu.memref_slice %arg12[%dma_start3A_118, %dma_start3A_119] : memref<10000x128xf32, #tpu.memory_space<vmem_shared>> -> memref<10000x128xf32, #tpu.memory_space<vmem_shared>>
        tpu.enqueue_indirect_dma source(%arg11 : memref<80x128xf32, #tpu.memory_space<vmem>>) target(%dma_start3A_120 : memref<10000x128xf32, #tpu.memory_space<vmem_shared>>) offsets(%dma_start3A_117 : memref<80xi32, #tpu.memory_space<vmem>>) semaphore(%run_scoped3A : memref<!tpu.dma_semaphore, #tpu.memory_space<semaphore_mem>>) {add = true}
        %dma_wait3A_121 = tpu.memref_slice %arg8[%mul3A_108] : memref<10000xi32, #tpu.memory_space<vmem>> -> memref<80xi32, #tpu.memory_space<vmem>>
        %dma_wait3A_122 = arith.constant 0 : i32
        %dma_wait3A_123 = arith.constant 0 : i32
        %dma_wait3A_124 = tpu.memref_slice %arg12[%dma_wait3A_122, %dma_wait3A_123] : memref<10000x128xf32, #tpu.memory_space<vmem_shared>> -> memref<10000x128xf32, #tpu.memory_space<vmem_shared>>
        tpu.wait_indirect_dma semaphore(%run_scoped3A : memref<!tpu.dma_semaphore, #tpu.memory_space<semaphore_mem>>) src(%arg11 : memref<80x128xf32, #tpu.memory_space<vmem>>) dst(%dma_wait3A_124 : memref<10000x128xf32, #tpu.memory_space<vmem_shared>>)
        tpu.yield
      }) : () -> ()
      %add3A_109 = arith.constant 3 : i32
      %add3A_110 = arith.addi %add3A_100, %add3A_109 : i32
      %lt3A_111 = arith.constant 125 : i32
      %lt3A_112 = arith.cmpi slt, %add3A_110, %lt3A_111 : i32
      %convert_element_type3A_113 = arith.extui %lt3A_112 : i1 to i32
      %cond3A_114 = arith.constant 0 : i32
      %cond3A_115 = arith.cmpi ne, %convert_element_type3A_113, %cond3A_114 : i32
      scf.if %cond3A_115 {
        %add3A_117 = arith.constant 3 : i32
        %add3A_118 = arith.addi %add3A_100, %add3A_117 : i32
        %mul3A_119 = arith.constant 80 : i32
        %mul3A_120 = arith.muli %add3A_118, %mul3A_119 : i32
        %dma_start3A_121 = tpu.memref_slice %arg7[%mul3A_120] : memref<10000xi32, #tpu.memory_space<vmem>> -> memref<80xi32, #tpu.memory_space<vmem>>
        %dma_start3A_122 = arith.constant 0 : i32
        %dma_start3A_123 = arith.constant 0 : i32
        %dma_start3A_124 = tpu.memref_slice %arg2[%dma_start3A_122, %dma_start3A_123] : memref<10000x128xf32, #tpu.memory_space<hbm>> -> memref<10000x128xf32, #tpu.memory_space<hbm>>
        tpu.enqueue_indirect_dma source(%dma_start3A_124 : memref<10000x128xf32, #tpu.memory_space<hbm>>) target(%arg11 : memref<80x128xf32, #tpu.memory_space<vmem>>) offsets(%dma_start3A_121 : memref<80xi32, #tpu.memory_space<vmem>>) semaphore(%arg15 : memref<!tpu.dma_semaphore, #tpu.memory_space<semaphore_mem>>)
      } else {
      }
      %scan3A_116 = arith.constant 0 : i32
      scf.yield %scan3A_116 : i32
    }
    %scan3A_50 = arith.constant 41 : i32
    %dma_wait3A = arith.constant 9840 : i32
    %dma_wait3A_51 = tpu.memref_slice %arg7[%dma_wait3A] : memref<10000xi32, #tpu.memory_space<vmem>> -> memref<80xi32, #tpu.memory_space<vmem>>
    %dma_wait3A_52 = arith.constant 0 : i32
    %dma_wait3A_53 = arith.constant 0 : i32
    %dma_wait3A_54 = tpu.memref_slice %arg2[%dma_wait3A_52, %dma_wait3A_53] : memref<10000x128xf32, #tpu.memory_space<hbm>> -> memref<10000x128xf32, #tpu.memory_space<hbm>>
    tpu.wait_indirect_dma semaphore(%arg13 : memref<!tpu.dma_semaphore, #tpu.memory_space<semaphore_mem>>) src(%dma_wait3A_54 : memref<10000x128xf32, #tpu.memory_space<hbm>>) dst(%arg9 : memref<80x128xf32, #tpu.memory_space<vmem>>)
    "tpu.region"() ({
      %run_scoped3A = tpu.sem_alloc : memref<!tpu.dma_semaphore, #tpu.memory_space<semaphore_mem>>
      %dma_start3A_64 = arith.constant 9840 : i32
      %dma_start3A_65 = tpu.memref_slice %arg8[%dma_start3A_64] : memref<10000xi32, #tpu.memory_space<vmem>> -> memref<80xi32, #tpu.memory_space<vmem>>
      %dma_start3A_66 = arith.constant 0 : i32
      %dma_start3A_67 = arith.constant 0 : i32
      %dma_start3A_68 = tpu.memref_slice %arg12[%dma_start3A_66, %dma_start3A_67] : memref<10000x128xf32, #tpu.memory_space<vmem_shared>> -> memref<10000x128xf32, #tpu.memory_space<vmem_shared>>
      tpu.enqueue_indirect_dma source(%arg9 : memref<80x128xf32, #tpu.memory_space<vmem>>) target(%dma_start3A_68 : memref<10000x128xf32, #tpu.memory_space<vmem_shared>>) offsets(%dma_start3A_65 : memref<80xi32, #tpu.memory_space<vmem>>) semaphore(%run_scoped3A : memref<!tpu.dma_semaphore, #tpu.memory_space<semaphore_mem>>) {add = true}
      %dma_wait3A_69 = arith.constant 9840 : i32
      %dma_wait3A_70 = tpu.memref_slice %arg8[%dma_wait3A_69] : memref<10000xi32, #tpu.memory_space<vmem>> -> memref<80xi32, #tpu.memory_space<vmem>>
      %dma_wait3A_71 = arith.constant 0 : i32
      %dma_wait3A_72 = arith.constant 0 : i32
      %dma_wait3A_73 = tpu.memref_slice %arg12[%dma_wait3A_71, %dma_wait3A_72] : memref<10000x128xf32, #tpu.memory_space<vmem_shared>> -> memref<10000x128xf32, #tpu.memory_space<vmem_shared>>
      tpu.wait_indirect_dma semaphore(%run_scoped3A : memref<!tpu.dma_semaphore, #tpu.memory_space<semaphore_mem>>) src(%arg9 : memref<80x128xf32, #tpu.memory_space<vmem>>) dst(%dma_wait3A_73 : memref<10000x128xf32, #tpu.memory_space<vmem_shared>>)
      tpu.yield
    }) : () -> ()
    %dma_wait3A_55 = arith.constant 9920 : i32
    %dma_wait3A_56 = tpu.memref_slice %arg7[%dma_wait3A_55] : memref<10000xi32, #tpu.memory_space<vmem>> -> memref<80xi32, #tpu.memory_space<vmem>>
    %dma_wait3A_57 = arith.constant 0 : i32
    %dma_wait3A_58 = arith.constant 0 : i32
    %dma_wait3A_59 = tpu.memref_slice %arg2[%dma_wait3A_57, %dma_wait3A_58] : memref<10000x128xf32, #tpu.memory_space<hbm>> -> memref<10000x128xf32, #tpu.memory_space<hbm>>
    tpu.wait_indirect_dma semaphore(%arg14 : memref<!tpu.dma_semaphore, #tpu.memory_space<semaphore_mem>>) src(%dma_wait3A_59 : memref<10000x128xf32, #tpu.memory_space<hbm>>) dst(%arg10 : memref<80x128xf32, #tpu.memory_space<vmem>>)
    "tpu.region"() ({
      %run_scoped3A = tpu.sem_alloc : memref<!tpu.dma_semaphore, #tpu.memory_space<semaphore_mem>>
      %dma_start3A_64 = arith.constant 9920 : i32
      %dma_start3A_65 = tpu.memref_slice %arg8[%dma_start3A_64] : memref<10000xi32, #tpu.memory_space<vmem>> -> memref<80xi32, #tpu.memory_space<vmem>>
      %dma_start3A_66 = arith.constant 0 : i32
      %dma_start3A_67 = arith.constant 0 : i32
      %dma_start3A_68 = tpu.memref_slice %arg12[%dma_start3A_66, %dma_start3A_67] : memref<10000x128xf32, #tpu.memory_space<vmem_shared>> -> memref<10000x128xf32, #tpu.memory_space<vmem_shared>>
      tpu.enqueue_indirect_dma source(%arg10 : memref<80x128xf32, #tpu.memory_space<vmem>>) target(%dma_start3A_68 : memref<10000x128xf32, #tpu.memory_space<vmem_shared>>) offsets(%dma_start3A_65 : memref<80xi32, #tpu.memory_space<vmem>>) semaphore(%run_scoped3A : memref<!tpu.dma_semaphore, #tpu.memory_space<semaphore_mem>>) {add = true}
      %dma_wait3A_69 = arith.constant 9920 : i32
      %dma_wait3A_70 = tpu.memref_slice %arg8[%dma_wait3A_69] : memref<10000xi32, #tpu.memory_space<vmem>> -> memref<80xi32, #tpu.memory_space<vmem>>
      %dma_wait3A_71 = arith.constant 0 : i32
      %dma_wait3A_72 = arith.constant 0 : i32
      %dma_wait3A_73 = tpu.memref_slice %arg12[%dma_wait3A_71, %dma_wait3A_72] : memref<10000x128xf32, #tpu.memory_space<vmem_shared>> -> memref<10000x128xf32, #tpu.memory_space<vmem_shared>>
      tpu.wait_indirect_dma semaphore(%run_scoped3A : memref<!tpu.dma_semaphore, #tpu.memory_space<semaphore_mem>>) src(%arg10 : memref<80x128xf32, #tpu.memory_space<vmem>>) dst(%dma_wait3A_73 : memref<10000x128xf32, #tpu.memory_space<vmem_shared>>)
      tpu.yield
    }) : () -> ()
    %barrier3A_60 = arith.constant 0 : index
    tpu.barrier barrier_id(%barrier3A_60)
    %mul3A_61 = arith.constant 10000 : i32
    %mul3A_62 = arith.muli %arg0, %mul3A_61 : i32
    %add3A_63 = arith.addi %mul3A_62, %multiple_of3A : i32
    "tpu.region"() ({
      %run_scoped3A = tpu.sem_alloc : memref<!tpu.dma_semaphore, #tpu.memory_space<semaphore_mem>>
      %dma_start3A_64 = arith.constant 0 : i32
      %dma_start3A_65 = tpu.memref_slice %arg6[%add3A_63, %dma_start3A_64] : memref<20000x128xf32, #tpu.memory_space<hbm>> -> memref<632x128xf32, #tpu.memory_space<hbm>>
      %dma_start3A_66 = arith.constant 0 : i32
      %dma_start3A_67 = tpu.memref_slice %arg12[%multiple_of3A, %dma_start3A_66] : memref<10000x128xf32, #tpu.memory_space<vmem_shared>> -> memref<632x128xf32, #tpu.memory_space<vmem_shared>>
      tpu.enqueue_dma source(%dma_start3A_67 : memref<632x128xf32, #tpu.memory_space<vmem_shared>>) target(%dma_start3A_65 : memref<632x128xf32, #tpu.memory_space<hbm>>) target_semaphore(%run_scoped3A : memref<!tpu.dma_semaphore, #tpu.memory_space<semaphore_mem>>)
      %dma_wait3A_68 = arith.constant 0 : i32
      %dma_wait3A_69 = tpu.memref_slice %arg6[%add3A_63, %dma_wait3A_68] : memref<20000x128xf32, #tpu.memory_space<hbm>> -> memref<632x128xf32, #tpu.memory_space<hbm>>
      %dma_wait3A_70 = arith.constant 0 : i32
      %dma_wait3A_71 = tpu.memref_slice %arg12[%multiple_of3A, %dma_wait3A_70] : memref<10000x128xf32, #tpu.memory_space<vmem_shared>> -> memref<632x128xf32, #tpu.memory_space<vmem_shared>>
      tpu.wait_dma2 semaphore(%run_scoped3A : memref<!tpu.dma_semaphore, #tpu.memory_space<semaphore_mem>>) src(%dma_wait3A_71 : memref<632x128xf32, #tpu.memory_space<vmem_shared>>) dst(%dma_wait3A_69 : memref<632x128xf32, #tpu.memory_space<hbm>>)
      tpu.yield
    }) : () -> ()
    return
  }
}

#map = affine_map<(d0, d1) -> (0, 0, 0)>
#map1 = affine_map<(d0, d1) -> (0, 0)>
module attributes {stable_mosaic.version = 14 : i64} {
  func.func @_deg_body(%arg0: i32, %arg1: i32, %arg2: memref<32x125x80xi32, #tpu.memory_space<hbm>>, %arg3: memref<128x32xf32, #tpu.memory_space<hbm>>, %arg4: memref<80x32xf32, #tpu.memory_space<hbm>>, %arg5: memref<20000x32xf32, #tpu.memory_space<hbm>>, %arg6: memref<125x80xi32, #tpu.memory_space<vmem>>, %arg7: memref<80x32xf32, #tpu.memory_space<vmem>>, %arg8: memref<10000x32xf32, #tpu.memory_space<vmem_shared>>, %arg9: memref<!tpu.dma_semaphore, #tpu.memory_space<semaphore_mem>>) attributes {dimension_semantics = [#tpu.dimension_semantics<core_parallel>, #tpu.dimension_semantics<subcore_parallel>], iteration_bounds = array<i64: 2, 16>, scalar_prefetch = 0 : i64, scratch_operands = 4 : i64, tpu.core_type = #tpu.core_type<sc_vector_subcore>, window_params = [{transform_indices = #map}, {transform_indices = #map1}, {transform_indices = #map1}, {transform_indices = #map1}]} {
    %mul3A = arith.constant 2 : i32
    %mul3A_0 = arith.muli %arg1, %mul3A : i32
    %add3A = arith.addi %mul3A_0, %arg0 : i32
    %mul3A_1 = arith.constant 625 : i32
    %mul3A_2 = arith.muli %arg1, %mul3A_1 : i32
    %jit3A = arith.constant 8 : i32
    %div3A = arith.divsi %mul3A_2, %jit3A : i32
    %sign3A = arith.constant 0 : i32
    %sign3A_3 = arith.cmpi sgt, %mul3A_2, %sign3A : i32
    %sign3A_4 = arith.extui %sign3A_3 : i1 to i32
    %sign3A_5 = arith.constant 0 : i32
    %sign3A_6 = arith.cmpi slt, %mul3A_2, %sign3A_5 : i32
    %sign3A_7 = arith.extui %sign3A_6 : i1 to i32
    %sign3A_8 = arith.subi %sign3A_4, %sign3A_7 : i32
    %sign3A_9 = arith.constant 0 : i32
    %sign3A_10 = arith.cmpi sgt, %jit3A, %sign3A_9 : i32
    %sign3A_11 = arith.extui %sign3A_10 : i1 to i32
    %sign3A_12 = arith.constant 0 : i32
    %sign3A_13 = arith.cmpi slt, %jit3A, %sign3A_12 : i32
    %sign3A_14 = arith.extui %sign3A_13 : i1 to i32
    %sign3A_15 = arith.subi %sign3A_11, %sign3A_14 : i32
    %ne3A = arith.cmpi ne, %sign3A_8, %sign3A_15 : i32
    %rem3A = arith.remsi %mul3A_2, %jit3A : i32
    %ne3A_16 = arith.constant 0 : i32
    %ne3A_17 = arith.cmpi ne, %rem3A, %ne3A_16 : i32
    %and3A = arith.andi %ne3A, %ne3A_17 : i1
    %sub3A = arith.constant 1 : i32
    %sub3A_18 = arith.subi %div3A, %sub3A : i32
    %select_n3A = arith.select %and3A, %sub3A_18, %div3A : i32
    %mul3A_19 = arith.constant 8 : i32
    %mul3A_20 = arith.muli %select_n3A, %mul3A_19 : i32
    %multiple_of3A = tpu.assume_multiple %mul3A_20, 8 : i32
    %add3A_21 = arith.constant 0 : i32
    %add3A_22 = arith.addi %multiple_of3A, %add3A_21 : i32
    "tpu.region"() ({
      %run_scoped3A = tpu.sem_alloc : memref<!tpu.dma_semaphore, #tpu.memory_space<semaphore_mem>>
      %dma_start3A = arith.constant 0 : i32
      %dma_start3A_48 = tpu.memref_slice %arg8[%add3A_22, %dma_start3A] : memref<10000x32xf32, #tpu.memory_space<vmem_shared>> -> memref<128x32xf32, #tpu.memory_space<vmem_shared>>
      %dma_start3A_49 = arith.constant 0 : i32
      %dma_start3A_50 = arith.constant 0 : i32
      %dma_start3A_51 = tpu.memref_slice %arg3[%dma_start3A_49, %dma_start3A_50] : memref<128x32xf32, #tpu.memory_space<hbm>> -> memref<128x32xf32, #tpu.memory_space<hbm>>
      tpu.enqueue_dma source(%dma_start3A_51 : memref<128x32xf32, #tpu.memory_space<hbm>>) target(%dma_start3A_48 : memref<128x32xf32, #tpu.memory_space<vmem_shared>>) target_semaphore(%run_scoped3A : memref<!tpu.dma_semaphore, #tpu.memory_space<semaphore_mem>>)
      %dma_wait3A = arith.constant 0 : i32
      %dma_wait3A_52 = tpu.memref_slice %arg8[%add3A_22, %dma_wait3A] : memref<10000x32xf32, #tpu.memory_space<vmem_shared>> -> memref<128x32xf32, #tpu.memory_space<vmem_shared>>
      %dma_wait3A_53 = arith.constant 0 : i32
      %dma_wait3A_54 = arith.constant 0 : i32
      %dma_wait3A_55 = tpu.memref_slice %arg3[%dma_wait3A_53, %dma_wait3A_54] : memref<128x32xf32, #tpu.memory_space<hbm>> -> memref<128x32xf32, #tpu.memory_space<hbm>>
      tpu.wait_dma2 semaphore(%run_scoped3A : memref<!tpu.dma_semaphore, #tpu.memory_space<semaphore_mem>>) src(%dma_wait3A_55 : memref<128x32xf32, #tpu.memory_space<hbm>>) dst(%dma_wait3A_52 : memref<128x32xf32, #tpu.memory_space<vmem_shared>>)
      tpu.yield
    }) : () -> ()
    %add3A_23 = arith.constant 128 : i32
    %add3A_24 = arith.addi %multiple_of3A, %add3A_23 : i32
    "tpu.region"() ({
      %run_scoped3A = tpu.sem_alloc : memref<!tpu.dma_semaphore, #tpu.memory_space<semaphore_mem>>
      %dma_start3A = arith.constant 0 : i32
      %dma_start3A_48 = tpu.memref_slice %arg8[%add3A_24, %dma_start3A] : memref<10000x32xf32, #tpu.memory_space<vmem_shared>> -> memref<128x32xf32, #tpu.memory_space<vmem_shared>>
      %dma_start3A_49 = arith.constant 0 : i32
      %dma_start3A_50 = arith.constant 0 : i32
      %dma_start3A_51 = tpu.memref_slice %arg3[%dma_start3A_49, %dma_start3A_50] : memref<128x32xf32, #tpu.memory_space<hbm>> -> memref<128x32xf32, #tpu.memory_space<hbm>>
      tpu.enqueue_dma source(%dma_start3A_51 : memref<128x32xf32, #tpu.memory_space<hbm>>) target(%dma_start3A_48 : memref<128x32xf32, #tpu.memory_space<vmem_shared>>) target_semaphore(%run_scoped3A : memref<!tpu.dma_semaphore, #tpu.memory_space<semaphore_mem>>)
      %dma_wait3A = arith.constant 0 : i32
      %dma_wait3A_52 = tpu.memref_slice %arg8[%add3A_24, %dma_wait3A] : memref<10000x32xf32, #tpu.memory_space<vmem_shared>> -> memref<128x32xf32, #tpu.memory_space<vmem_shared>>
      %dma_wait3A_53 = arith.constant 0 : i32
      %dma_wait3A_54 = arith.constant 0 : i32
      %dma_wait3A_55 = tpu.memref_slice %arg3[%dma_wait3A_53, %dma_wait3A_54] : memref<128x32xf32, #tpu.memory_space<hbm>> -> memref<128x32xf32, #tpu.memory_space<hbm>>
      tpu.wait_dma2 semaphore(%run_scoped3A : memref<!tpu.dma_semaphore, #tpu.memory_space<semaphore_mem>>) src(%dma_wait3A_55 : memref<128x32xf32, #tpu.memory_space<hbm>>) dst(%dma_wait3A_52 : memref<128x32xf32, #tpu.memory_space<vmem_shared>>)
      tpu.yield
    }) : () -> ()
    %add3A_25 = arith.constant 256 : i32
    %add3A_26 = arith.addi %multiple_of3A, %add3A_25 : i32
    "tpu.region"() ({
      %run_scoped3A = tpu.sem_alloc : memref<!tpu.dma_semaphore, #tpu.memory_space<semaphore_mem>>
      %dma_start3A = arith.constant 0 : i32
      %dma_start3A_48 = tpu.memref_slice %arg8[%add3A_26, %dma_start3A] : memref<10000x32xf32, #tpu.memory_space<vmem_shared>> -> memref<128x32xf32, #tpu.memory_space<vmem_shared>>
      %dma_start3A_49 = arith.constant 0 : i32
      %dma_start3A_50 = arith.constant 0 : i32
      %dma_start3A_51 = tpu.memref_slice %arg3[%dma_start3A_49, %dma_start3A_50] : memref<128x32xf32, #tpu.memory_space<hbm>> -> memref<128x32xf32, #tpu.memory_space<hbm>>
      tpu.enqueue_dma source(%dma_start3A_51 : memref<128x32xf32, #tpu.memory_space<hbm>>) target(%dma_start3A_48 : memref<128x32xf32, #tpu.memory_space<vmem_shared>>) target_semaphore(%run_scoped3A : memref<!tpu.dma_semaphore, #tpu.memory_space<semaphore_mem>>)
      %dma_wait3A = arith.constant 0 : i32
      %dma_wait3A_52 = tpu.memref_slice %arg8[%add3A_26, %dma_wait3A] : memref<10000x32xf32, #tpu.memory_space<vmem_shared>> -> memref<128x32xf32, #tpu.memory_space<vmem_shared>>
      %dma_wait3A_53 = arith.constant 0 : i32
      %dma_wait3A_54 = arith.constant 0 : i32
      %dma_wait3A_55 = tpu.memref_slice %arg3[%dma_wait3A_53, %dma_wait3A_54] : memref<128x32xf32, #tpu.memory_space<hbm>> -> memref<128x32xf32, #tpu.memory_space<hbm>>
      tpu.wait_dma2 semaphore(%run_scoped3A : memref<!tpu.dma_semaphore, #tpu.memory_space<semaphore_mem>>) src(%dma_wait3A_55 : memref<128x32xf32, #tpu.memory_space<hbm>>) dst(%dma_wait3A_52 : memref<128x32xf32, #tpu.memory_space<vmem_shared>>)
      tpu.yield
    }) : () -> ()
    %add3A_27 = arith.constant 384 : i32
    %add3A_28 = arith.addi %multiple_of3A, %add3A_27 : i32
    "tpu.region"() ({
      %run_scoped3A = tpu.sem_alloc : memref<!tpu.dma_semaphore, #tpu.memory_space<semaphore_mem>>
      %dma_start3A = arith.constant 0 : i32
      %dma_start3A_48 = tpu.memref_slice %arg8[%add3A_28, %dma_start3A] : memref<10000x32xf32, #tpu.memory_space<vmem_shared>> -> memref<128x32xf32, #tpu.memory_space<vmem_shared>>
      %dma_start3A_49 = arith.constant 0 : i32
      %dma_start3A_50 = arith.constant 0 : i32
      %dma_start3A_51 = tpu.memref_slice %arg3[%dma_start3A_49, %dma_start3A_50] : memref<128x32xf32, #tpu.memory_space<hbm>> -> memref<128x32xf32, #tpu.memory_space<hbm>>
      tpu.enqueue_dma source(%dma_start3A_51 : memref<128x32xf32, #tpu.memory_space<hbm>>) target(%dma_start3A_48 : memref<128x32xf32, #tpu.memory_space<vmem_shared>>) target_semaphore(%run_scoped3A : memref<!tpu.dma_semaphore, #tpu.memory_space<semaphore_mem>>)
      %dma_wait3A = arith.constant 0 : i32
      %dma_wait3A_52 = tpu.memref_slice %arg8[%add3A_28, %dma_wait3A] : memref<10000x32xf32, #tpu.memory_space<vmem_shared>> -> memref<128x32xf32, #tpu.memory_space<vmem_shared>>
      %dma_wait3A_53 = arith.constant 0 : i32
      %dma_wait3A_54 = arith.constant 0 : i32
      %dma_wait3A_55 = tpu.memref_slice %arg3[%dma_wait3A_53, %dma_wait3A_54] : memref<128x32xf32, #tpu.memory_space<hbm>> -> memref<128x32xf32, #tpu.memory_space<hbm>>
      tpu.wait_dma2 semaphore(%run_scoped3A : memref<!tpu.dma_semaphore, #tpu.memory_space<semaphore_mem>>) src(%dma_wait3A_55 : memref<128x32xf32, #tpu.memory_space<hbm>>) dst(%dma_wait3A_52 : memref<128x32xf32, #tpu.memory_space<vmem_shared>>)
      tpu.yield
    }) : () -> ()
    %add3A_29 = arith.constant 512 : i32
    %add3A_30 = arith.addi %multiple_of3A, %add3A_29 : i32
    "tpu.region"() ({
      %run_scoped3A = tpu.sem_alloc : memref<!tpu.dma_semaphore, #tpu.memory_space<semaphore_mem>>
      %dma_start3A = arith.constant 0 : i32
      %dma_start3A_48 = tpu.memref_slice %arg8[%add3A_30, %dma_start3A] : memref<10000x32xf32, #tpu.memory_space<vmem_shared>> -> memref<120x32xf32, #tpu.memory_space<vmem_shared>>
      %dma_start3A_49 = arith.constant 0 : i32
      %dma_start3A_50 = arith.constant 0 : i32
      %dma_start3A_51 = tpu.memref_slice %arg3[%dma_start3A_49, %dma_start3A_50] : memref<128x32xf32, #tpu.memory_space<hbm>> -> memref<120x32xf32, #tpu.memory_space<hbm>>
      tpu.enqueue_dma source(%dma_start3A_51 : memref<120x32xf32, #tpu.memory_space<hbm>>) target(%dma_start3A_48 : memref<120x32xf32, #tpu.memory_space<vmem_shared>>) target_semaphore(%run_scoped3A : memref<!tpu.dma_semaphore, #tpu.memory_space<semaphore_mem>>)
      %dma_wait3A = arith.constant 0 : i32
      %dma_wait3A_52 = tpu.memref_slice %arg8[%add3A_30, %dma_wait3A] : memref<10000x32xf32, #tpu.memory_space<vmem_shared>> -> memref<120x32xf32, #tpu.memory_space<vmem_shared>>
      %dma_wait3A_53 = arith.constant 0 : i32
      %dma_wait3A_54 = arith.constant 0 : i32
      %dma_wait3A_55 = tpu.memref_slice %arg3[%dma_wait3A_53, %dma_wait3A_54] : memref<128x32xf32, #tpu.memory_space<hbm>> -> memref<120x32xf32, #tpu.memory_space<hbm>>
      tpu.wait_dma2 semaphore(%run_scoped3A : memref<!tpu.dma_semaphore, #tpu.memory_space<semaphore_mem>>) src(%dma_wait3A_55 : memref<120x32xf32, #tpu.memory_space<hbm>>) dst(%dma_wait3A_52 : memref<120x32xf32, #tpu.memory_space<vmem_shared>>)
      tpu.yield
    }) : () -> ()
    "tpu.region"() ({
      %run_scoped3A = tpu.sem_alloc : memref<!tpu.dma_semaphore, #tpu.memory_space<semaphore_mem>>
      tpu.enqueue_dma source(%arg4 : memref<80x32xf32, #tpu.memory_space<hbm>>) target(%arg7 : memref<80x32xf32, #tpu.memory_space<vmem>>) target_semaphore(%run_scoped3A : memref<!tpu.dma_semaphore, #tpu.memory_space<semaphore_mem>>)
      tpu.wait_dma2 semaphore(%run_scoped3A : memref<!tpu.dma_semaphore, #tpu.memory_space<semaphore_mem>>) src(%arg4 : memref<80x32xf32, #tpu.memory_space<hbm>>) dst(%arg7 : memref<80x32xf32, #tpu.memory_space<vmem>>)
      tpu.yield
    }) : () -> ()
    %barrier3A = arith.constant 0 : index
    tpu.barrier barrier_id(%barrier3A)
    "tpu.region"() ({
      %run_scoped3A = tpu.sem_alloc : memref<!tpu.dma_semaphore, #tpu.memory_space<semaphore_mem>>
      %dma_start3A = arith.constant 0 : i32
      %dma_start3A_48 = arith.constant 0 : i32
      %dma_start3A_49 = tpu.memref_slice %arg2[%add3A, %dma_start3A, %dma_start3A_48] : memref<32x125x80xi32, #tpu.memory_space<hbm>> -> memref<1x125x80xi32, #tpu.memory_space<hbm>>
      %dma_start3A_50 = tpu.memref_squeeze %dma_start3A_49 : memref<1x125x80xi32, #tpu.memory_space<hbm>> -> memref<125x80xi32, #tpu.memory_space<hbm>>
      %dma_start3A_51 = arith.constant 0 : i32
      %dma_start3A_52 = arith.constant 0 : i32
      %dma_start3A_53 = tpu.memref_slice %arg2[%add3A, %dma_start3A_51, %dma_start3A_52] : memref<32x125x80xi32, #tpu.memory_space<hbm>> -> memref<1x125x80xi32, #tpu.memory_space<hbm>>
      %dma_start3A_54 = tpu.memref_squeeze %dma_start3A_53 : memref<1x125x80xi32, #tpu.memory_space<hbm>> -> memref<125x80xi32, #tpu.memory_space<hbm>>
      tpu.enqueue_dma source(%dma_start3A_54 : memref<125x80xi32, #tpu.memory_space<hbm>>) target(%arg6 : memref<125x80xi32, #tpu.memory_space<vmem>>) target_semaphore(%run_scoped3A : memref<!tpu.dma_semaphore, #tpu.memory_space<semaphore_mem>>)
      %dma_wait3A = arith.constant 0 : i32
      %dma_wait3A_55 = arith.constant 0 : i32
      %dma_wait3A_56 = tpu.memref_slice %arg2[%add3A, %dma_wait3A, %dma_wait3A_55] : memref<32x125x80xi32, #tpu.memory_space<hbm>> -> memref<1x125x80xi32, #tpu.memory_space<hbm>>
      %dma_wait3A_57 = tpu.memref_squeeze %dma_wait3A_56 : memref<1x125x80xi32, #tpu.memory_space<hbm>> -> memref<125x80xi32, #tpu.memory_space<hbm>>
      %dma_wait3A_58 = arith.constant 0 : i32
      %dma_wait3A_59 = arith.constant 0 : i32
      %dma_wait3A_60 = tpu.memref_slice %arg2[%add3A, %dma_wait3A_58, %dma_wait3A_59] : memref<32x125x80xi32, #tpu.memory_space<hbm>> -> memref<1x125x80xi32, #tpu.memory_space<hbm>>
      %dma_wait3A_61 = tpu.memref_squeeze %dma_wait3A_60 : memref<1x125x80xi32, #tpu.memory_space<hbm>> -> memref<125x80xi32, #tpu.memory_space<hbm>>
      tpu.wait_dma2 semaphore(%run_scoped3A : memref<!tpu.dma_semaphore, #tpu.memory_space<semaphore_mem>>) src(%dma_wait3A_61 : memref<125x80xi32, #tpu.memory_space<hbm>>) dst(%arg6 : memref<125x80xi32, #tpu.memory_space<vmem>>)
      tpu.yield
    }) : () -> ()
    %scan3A = arith.constant 0 : i32
    %scan3A_31 = arith.constant 0 : i32
    %scan3A_32 = arith.constant 125 : i32
    %scan3A_33 = arith.addi %scan3A_31, %scan3A_32 : i32
    %scan3A_34 = arith.constant 1 : i32
    %scan3A_35 = scf.for %scan3A_48 = %scan3A_31 to %scan3A_33 step %scan3A_34 iter_args(%scan3A_49 = %scan3A) -> (i32)  : i32 {
      %dma_start3A = arith.constant 0 : i32
      %dma_start3A_50 = tpu.memref_slice %arg6[%scan3A_48, %dma_start3A] : memref<125x80xi32, #tpu.memory_space<vmem>> -> memref<1x80xi32, #tpu.memory_space<vmem>>
      %dma_start3A_51 = tpu.memref_squeeze %dma_start3A_50 : memref<1x80xi32, #tpu.memory_space<vmem>> -> memref<80xi32, #tpu.memory_space<vmem>>
      %dma_start3A_52 = arith.constant 0 : i32
      %dma_start3A_53 = arith.constant 0 : i32
      %dma_start3A_54 = tpu.memref_slice %arg8[%dma_start3A_52, %dma_start3A_53] : memref<10000x32xf32, #tpu.memory_space<vmem_shared>> -> memref<10000x32xf32, #tpu.memory_space<vmem_shared>>
      tpu.enqueue_indirect_dma source(%arg7 : memref<80x32xf32, #tpu.memory_space<vmem>>) target(%dma_start3A_54 : memref<10000x32xf32, #tpu.memory_space<vmem_shared>>) offsets(%dma_start3A_51 : memref<80xi32, #tpu.memory_space<vmem>>) semaphore(%arg9 : memref<!tpu.dma_semaphore, #tpu.memory_space<semaphore_mem>>) {add = true}
      %scan3A_55 = arith.constant 0 : i32
      scf.yield %scan3A_55 : i32
    }
    %scan3A_36 = arith.constant 125 : i32
    %scan3A_37 = arith.constant 0 : i32
    %scan3A_38 = arith.constant 0 : i32
    %scan3A_39 = arith.constant 125 : i32
    %scan3A_40 = arith.addi %scan3A_38, %scan3A_39 : i32
    %scan3A_41 = arith.constant 1 : i32
    %scan3A_42 = scf.for %scan3A_48 = %scan3A_38 to %scan3A_40 step %scan3A_41 iter_args(%scan3A_49 = %scan3A_37) -> (i32)  : i32 {
      %dma_wait3A = arith.constant 0 : i32
      %dma_wait3A_50 = tpu.memref_slice %arg6[%scan3A_48, %dma_wait3A] : memref<125x80xi32, #tpu.memory_space<vmem>> -> memref<1x80xi32, #tpu.memory_space<vmem>>
      %dma_wait3A_51 = tpu.memref_squeeze %dma_wait3A_50 : memref<1x80xi32, #tpu.memory_space<vmem>> -> memref<80xi32, #tpu.memory_space<vmem>>
      %dma_wait3A_52 = arith.constant 0 : i32
      %dma_wait3A_53 = arith.constant 0 : i32
      %dma_wait3A_54 = tpu.memref_slice %arg8[%dma_wait3A_52, %dma_wait3A_53] : memref<10000x32xf32, #tpu.memory_space<vmem_shared>> -> memref<10000x32xf32, #tpu.memory_space<vmem_shared>>
      tpu.wait_indirect_dma semaphore(%arg9 : memref<!tpu.dma_semaphore, #tpu.memory_space<semaphore_mem>>) src(%arg7 : memref<80x32xf32, #tpu.memory_space<vmem>>) dst(%dma_wait3A_54 : memref<10000x32xf32, #tpu.memory_space<vmem_shared>>)
      %scan3A_55 = arith.constant 0 : i32
      scf.yield %scan3A_55 : i32
    }
    %scan3A_43 = arith.constant 125 : i32
    %barrier3A_44 = arith.constant 0 : index
    tpu.barrier barrier_id(%barrier3A_44)
    %mul3A_45 = arith.constant 10000 : i32
    %mul3A_46 = arith.muli %arg0, %mul3A_45 : i32
    %add3A_47 = arith.addi %mul3A_46, %multiple_of3A : i32
    "tpu.region"() ({
      %run_scoped3A = tpu.sem_alloc : memref<!tpu.dma_semaphore, #tpu.memory_space<semaphore_mem>>
      %dma_start3A = arith.constant 0 : i32
      %dma_start3A_48 = tpu.memref_slice %arg5[%add3A_47, %dma_start3A] : memref<20000x32xf32, #tpu.memory_space<hbm>> -> memref<632x32xf32, #tpu.memory_space<hbm>>
      %dma_start3A_49 = arith.constant 0 : i32
      %dma_start3A_50 = tpu.memref_slice %arg8[%multiple_of3A, %dma_start3A_49] : memref<10000x32xf32, #tpu.memory_space<vmem_shared>> -> memref<632x32xf32, #tpu.memory_space<vmem_shared>>
      tpu.enqueue_dma source(%dma_start3A_50 : memref<632x32xf32, #tpu.memory_space<vmem_shared>>) target(%dma_start3A_48 : memref<632x32xf32, #tpu.memory_space<hbm>>) target_semaphore(%run_scoped3A : memref<!tpu.dma_semaphore, #tpu.memory_space<semaphore_mem>>)
      %dma_wait3A = arith.constant 0 : i32
      %dma_wait3A_51 = tpu.memref_slice %arg5[%add3A_47, %dma_wait3A] : memref<20000x32xf32, #tpu.memory_space<hbm>> -> memref<632x32xf32, #tpu.memory_space<hbm>>
      %dma_wait3A_52 = arith.constant 0 : i32
      %dma_wait3A_53 = tpu.memref_slice %arg8[%multiple_of3A, %dma_wait3A_52] : memref<10000x32xf32, #tpu.memory_space<vmem_shared>> -> memref<632x32xf32, #tpu.memory_space<vmem_shared>>
      tpu.wait_dma2 semaphore(%run_scoped3A : memref<!tpu.dma_semaphore, #tpu.memory_space<semaphore_mem>>) src(%dma_wait3A_53 : memref<632x32xf32, #tpu.memory_space<vmem_shared>>) dst(%dma_wait3A_51 : memref<632x32xf32, #tpu.memory_space<hbm>>)
      tpu.yield
    }) : () -> ()
    return
  }
}

#map = affine_map<(d0, d1) -> (0, 0)>
module attributes {stable_mosaic.version = 14 : i64} {
  func.func @_agg_body(%arg0: i32, %arg1: i32, %arg2: memref<10000x64xf32, #tpu.memory_space<hbm>>, %arg3: memref<32x10000xi32, #tpu.memory_space<hbm>>, %arg4: memref<32x10000xi32, #tpu.memory_space<hbm>>, %arg5: memref<128x64xf32, #tpu.memory_space<hbm>>, %arg6: memref<20000x64xf32, #tpu.memory_space<hbm>>, %arg7: memref<10000xi32, #tpu.memory_space<vmem>>, %arg8: memref<10000xi32, #tpu.memory_space<vmem>>, %arg9: memref<80x64xf32, #tpu.memory_space<vmem>>, %arg10: memref<80x64xf32, #tpu.memory_space<vmem>>, %arg11: memref<80x64xf32, #tpu.memory_space<vmem>>, %arg12: memref<80x64xf32, #tpu.memory_space<vmem>>, %arg13: memref<80x64xf32, #tpu.memory_space<vmem>>, %arg14: memref<10000x64xf32, #tpu.memory_space<vmem_shared>>, %arg15: memref<!tpu.dma_semaphore, #tpu.memory_space<semaphore_mem>>, %arg16: memref<!tpu.dma_semaphore, #tpu.memory_space<semaphore_mem>>, %arg17: memref<!tpu.dma_semaphore, #tpu.memory_space<semaphore_mem>>, %arg18: memref<!tpu.dma_semaphore, #tpu.memory_space<semaphore_mem>>, %arg19: memref<!tpu.dma_semaphore, #tpu.memory_space<semaphore_mem>>) attributes {dimension_semantics = [#tpu.dimension_semantics<core_parallel>, #tpu.dimension_semantics<subcore_parallel>], iteration_bounds = array<i64: 2, 16>, scalar_prefetch = 0 : i64, scratch_operands = 13 : i64, tpu.core_type = #tpu.core_type<sc_vector_subcore>, window_params = [{transform_indices = #map}, {transform_indices = #map}, {transform_indices = #map}, {transform_indices = #map}, {transform_indices = #map}]} {
    %mul3A = arith.constant 2 : i32
    %mul3A_0 = arith.muli %arg1, %mul3A : i32
    %add3A = arith.addi %mul3A_0, %arg0 : i32
    %mul3A_1 = arith.constant 625 : i32
    %mul3A_2 = arith.muli %arg1, %mul3A_1 : i32
    %jit3A = arith.constant 8 : i32
    %div3A = arith.divsi %mul3A_2, %jit3A : i32
    %sign3A = arith.constant 0 : i32
    %sign3A_3 = arith.cmpi sgt, %mul3A_2, %sign3A : i32
    %sign3A_4 = arith.extui %sign3A_3 : i1 to i32
    %sign3A_5 = arith.constant 0 : i32
    %sign3A_6 = arith.cmpi slt, %mul3A_2, %sign3A_5 : i32
    %sign3A_7 = arith.extui %sign3A_6 : i1 to i32
    %sign3A_8 = arith.subi %sign3A_4, %sign3A_7 : i32
    %sign3A_9 = arith.constant 0 : i32
    %sign3A_10 = arith.cmpi sgt, %jit3A, %sign3A_9 : i32
    %sign3A_11 = arith.extui %sign3A_10 : i1 to i32
    %sign3A_12 = arith.constant 0 : i32
    %sign3A_13 = arith.cmpi slt, %jit3A, %sign3A_12 : i32
    %sign3A_14 = arith.extui %sign3A_13 : i1 to i32
    %sign3A_15 = arith.subi %sign3A_11, %sign3A_14 : i32
    %ne3A = arith.cmpi ne, %sign3A_8, %sign3A_15 : i32
    %rem3A = arith.remsi %mul3A_2, %jit3A : i32
    %ne3A_16 = arith.constant 0 : i32
    %ne3A_17 = arith.cmpi ne, %rem3A, %ne3A_16 : i32
    %and3A = arith.andi %ne3A, %ne3A_17 : i1
    %sub3A = arith.constant 1 : i32
    %sub3A_18 = arith.subi %div3A, %sub3A : i32
    %select_n3A = arith.select %and3A, %sub3A_18, %div3A : i32
    %mul3A_19 = arith.constant 8 : i32
    %mul3A_20 = arith.muli %select_n3A, %mul3A_19 : i32
    %multiple_of3A = tpu.assume_multiple %mul3A_20, 8 : i32
    %add3A_21 = arith.constant 0 : i32
    %add3A_22 = arith.addi %multiple_of3A, %add3A_21 : i32
    "tpu.region"() ({
      %run_scoped3A = tpu.sem_alloc : memref<!tpu.dma_semaphore, #tpu.memory_space<semaphore_mem>>
      %dma_start3A_65 = arith.constant 0 : i32
      %dma_start3A_66 = tpu.memref_slice %arg14[%add3A_22, %dma_start3A_65] : memref<10000x64xf32, #tpu.memory_space<vmem_shared>> -> memref<128x64xf32, #tpu.memory_space<vmem_shared>>
      %dma_start3A_67 = arith.constant 0 : i32
      %dma_start3A_68 = arith.constant 0 : i32
      %dma_start3A_69 = tpu.memref_slice %arg5[%dma_start3A_67, %dma_start3A_68] : memref<128x64xf32, #tpu.memory_space<hbm>> -> memref<128x64xf32, #tpu.memory_space<hbm>>
      tpu.enqueue_dma source(%dma_start3A_69 : memref<128x64xf32, #tpu.memory_space<hbm>>) target(%dma_start3A_66 : memref<128x64xf32, #tpu.memory_space<vmem_shared>>) target_semaphore(%run_scoped3A : memref<!tpu.dma_semaphore, #tpu.memory_space<semaphore_mem>>)
      %dma_wait3A = arith.constant 0 : i32
      %dma_wait3A_70 = tpu.memref_slice %arg14[%add3A_22, %dma_wait3A] : memref<10000x64xf32, #tpu.memory_space<vmem_shared>> -> memref<128x64xf32, #tpu.memory_space<vmem_shared>>
      %dma_wait3A_71 = arith.constant 0 : i32
      %dma_wait3A_72 = arith.constant 0 : i32
      %dma_wait3A_73 = tpu.memref_slice %arg5[%dma_wait3A_71, %dma_wait3A_72] : memref<128x64xf32, #tpu.memory_space<hbm>> -> memref<128x64xf32, #tpu.memory_space<hbm>>
      tpu.wait_dma2 semaphore(%run_scoped3A : memref<!tpu.dma_semaphore, #tpu.memory_space<semaphore_mem>>) src(%dma_wait3A_73 : memref<128x64xf32, #tpu.memory_space<hbm>>) dst(%dma_wait3A_70 : memref<128x64xf32, #tpu.memory_space<vmem_shared>>)
      tpu.yield
    }) : () -> ()
    %add3A_23 = arith.constant 128 : i32
    %add3A_24 = arith.addi %multiple_of3A, %add3A_23 : i32
    "tpu.region"() ({
      %run_scoped3A = tpu.sem_alloc : memref<!tpu.dma_semaphore, #tpu.memory_space<semaphore_mem>>
      %dma_start3A_65 = arith.constant 0 : i32
      %dma_start3A_66 = tpu.memref_slice %arg14[%add3A_24, %dma_start3A_65] : memref<10000x64xf32, #tpu.memory_space<vmem_shared>> -> memref<128x64xf32, #tpu.memory_space<vmem_shared>>
      %dma_start3A_67 = arith.constant 0 : i32
      %dma_start3A_68 = arith.constant 0 : i32
      %dma_start3A_69 = tpu.memref_slice %arg5[%dma_start3A_67, %dma_start3A_68] : memref<128x64xf32, #tpu.memory_space<hbm>> -> memref<128x64xf32, #tpu.memory_space<hbm>>
      tpu.enqueue_dma source(%dma_start3A_69 : memref<128x64xf32, #tpu.memory_space<hbm>>) target(%dma_start3A_66 : memref<128x64xf32, #tpu.memory_space<vmem_shared>>) target_semaphore(%run_scoped3A : memref<!tpu.dma_semaphore, #tpu.memory_space<semaphore_mem>>)
      %dma_wait3A = arith.constant 0 : i32
      %dma_wait3A_70 = tpu.memref_slice %arg14[%add3A_24, %dma_wait3A] : memref<10000x64xf32, #tpu.memory_space<vmem_shared>> -> memref<128x64xf32, #tpu.memory_space<vmem_shared>>
      %dma_wait3A_71 = arith.constant 0 : i32
      %dma_wait3A_72 = arith.constant 0 : i32
      %dma_wait3A_73 = tpu.memref_slice %arg5[%dma_wait3A_71, %dma_wait3A_72] : memref<128x64xf32, #tpu.memory_space<hbm>> -> memref<128x64xf32, #tpu.memory_space<hbm>>
      tpu.wait_dma2 semaphore(%run_scoped3A : memref<!tpu.dma_semaphore, #tpu.memory_space<semaphore_mem>>) src(%dma_wait3A_73 : memref<128x64xf32, #tpu.memory_space<hbm>>) dst(%dma_wait3A_70 : memref<128x64xf32, #tpu.memory_space<vmem_shared>>)
      tpu.yield
    }) : () -> ()
    %add3A_25 = arith.constant 256 : i32
    %add3A_26 = arith.addi %multiple_of3A, %add3A_25 : i32
    "tpu.region"() ({
      %run_scoped3A = tpu.sem_alloc : memref<!tpu.dma_semaphore, #tpu.memory_space<semaphore_mem>>
      %dma_start3A_65 = arith.constant 0 : i32
      %dma_start3A_66 = tpu.memref_slice %arg14[%add3A_26, %dma_start3A_65] : memref<10000x64xf32, #tpu.memory_space<vmem_shared>> -> memref<128x64xf32, #tpu.memory_space<vmem_shared>>
      %dma_start3A_67 = arith.constant 0 : i32
      %dma_start3A_68 = arith.constant 0 : i32
      %dma_start3A_69 = tpu.memref_slice %arg5[%dma_start3A_67, %dma_start3A_68] : memref<128x64xf32, #tpu.memory_space<hbm>> -> memref<128x64xf32, #tpu.memory_space<hbm>>
      tpu.enqueue_dma source(%dma_start3A_69 : memref<128x64xf32, #tpu.memory_space<hbm>>) target(%dma_start3A_66 : memref<128x64xf32, #tpu.memory_space<vmem_shared>>) target_semaphore(%run_scoped3A : memref<!tpu.dma_semaphore, #tpu.memory_space<semaphore_mem>>)
      %dma_wait3A = arith.constant 0 : i32
      %dma_wait3A_70 = tpu.memref_slice %arg14[%add3A_26, %dma_wait3A] : memref<10000x64xf32, #tpu.memory_space<vmem_shared>> -> memref<128x64xf32, #tpu.memory_space<vmem_shared>>
      %dma_wait3A_71 = arith.constant 0 : i32
      %dma_wait3A_72 = arith.constant 0 : i32
      %dma_wait3A_73 = tpu.memref_slice %arg5[%dma_wait3A_71, %dma_wait3A_72] : memref<128x64xf32, #tpu.memory_space<hbm>> -> memref<128x64xf32, #tpu.memory_space<hbm>>
      tpu.wait_dma2 semaphore(%run_scoped3A : memref<!tpu.dma_semaphore, #tpu.memory_space<semaphore_mem>>) src(%dma_wait3A_73 : memref<128x64xf32, #tpu.memory_space<hbm>>) dst(%dma_wait3A_70 : memref<128x64xf32, #tpu.memory_space<vmem_shared>>)
      tpu.yield
    }) : () -> ()
    %add3A_27 = arith.constant 384 : i32
    %add3A_28 = arith.addi %multiple_of3A, %add3A_27 : i32
    "tpu.region"() ({
      %run_scoped3A = tpu.sem_alloc : memref<!tpu.dma_semaphore, #tpu.memory_space<semaphore_mem>>
      %dma_start3A_65 = arith.constant 0 : i32
      %dma_start3A_66 = tpu.memref_slice %arg14[%add3A_28, %dma_start3A_65] : memref<10000x64xf32, #tpu.memory_space<vmem_shared>> -> memref<128x64xf32, #tpu.memory_space<vmem_shared>>
      %dma_start3A_67 = arith.constant 0 : i32
      %dma_start3A_68 = arith.constant 0 : i32
      %dma_start3A_69 = tpu.memref_slice %arg5[%dma_start3A_67, %dma_start3A_68] : memref<128x64xf32, #tpu.memory_space<hbm>> -> memref<128x64xf32, #tpu.memory_space<hbm>>
      tpu.enqueue_dma source(%dma_start3A_69 : memref<128x64xf32, #tpu.memory_space<hbm>>) target(%dma_start3A_66 : memref<128x64xf32, #tpu.memory_space<vmem_shared>>) target_semaphore(%run_scoped3A : memref<!tpu.dma_semaphore, #tpu.memory_space<semaphore_mem>>)
      %dma_wait3A = arith.constant 0 : i32
      %dma_wait3A_70 = tpu.memref_slice %arg14[%add3A_28, %dma_wait3A] : memref<10000x64xf32, #tpu.memory_space<vmem_shared>> -> memref<128x64xf32, #tpu.memory_space<vmem_shared>>
      %dma_wait3A_71 = arith.constant 0 : i32
      %dma_wait3A_72 = arith.constant 0 : i32
      %dma_wait3A_73 = tpu.memref_slice %arg5[%dma_wait3A_71, %dma_wait3A_72] : memref<128x64xf32, #tpu.memory_space<hbm>> -> memref<128x64xf32, #tpu.memory_space<hbm>>
      tpu.wait_dma2 semaphore(%run_scoped3A : memref<!tpu.dma_semaphore, #tpu.memory_space<semaphore_mem>>) src(%dma_wait3A_73 : memref<128x64xf32, #tpu.memory_space<hbm>>) dst(%dma_wait3A_70 : memref<128x64xf32, #tpu.memory_space<vmem_shared>>)
      tpu.yield
    }) : () -> ()
    %add3A_29 = arith.constant 512 : i32
    %add3A_30 = arith.addi %multiple_of3A, %add3A_29 : i32
    "tpu.region"() ({
      %run_scoped3A = tpu.sem_alloc : memref<!tpu.dma_semaphore, #tpu.memory_space<semaphore_mem>>
      %dma_start3A_65 = arith.constant 0 : i32
      %dma_start3A_66 = tpu.memref_slice %arg14[%add3A_30, %dma_start3A_65] : memref<10000x64xf32, #tpu.memory_space<vmem_shared>> -> memref<120x64xf32, #tpu.memory_space<vmem_shared>>
      %dma_start3A_67 = arith.constant 0 : i32
      %dma_start3A_68 = arith.constant 0 : i32
      %dma_start3A_69 = tpu.memref_slice %arg5[%dma_start3A_67, %dma_start3A_68] : memref<128x64xf32, #tpu.memory_space<hbm>> -> memref<120x64xf32, #tpu.memory_space<hbm>>
      tpu.enqueue_dma source(%dma_start3A_69 : memref<120x64xf32, #tpu.memory_space<hbm>>) target(%dma_start3A_66 : memref<120x64xf32, #tpu.memory_space<vmem_shared>>) target_semaphore(%run_scoped3A : memref<!tpu.dma_semaphore, #tpu.memory_space<semaphore_mem>>)
      %dma_wait3A = arith.constant 0 : i32
      %dma_wait3A_70 = tpu.memref_slice %arg14[%add3A_30, %dma_wait3A] : memref<10000x64xf32, #tpu.memory_space<vmem_shared>> -> memref<120x64xf32, #tpu.memory_space<vmem_shared>>
      %dma_wait3A_71 = arith.constant 0 : i32
      %dma_wait3A_72 = arith.constant 0 : i32
      %dma_wait3A_73 = tpu.memref_slice %arg5[%dma_wait3A_71, %dma_wait3A_72] : memref<128x64xf32, #tpu.memory_space<hbm>> -> memref<120x64xf32, #tpu.memory_space<hbm>>
      tpu.wait_dma2 semaphore(%run_scoped3A : memref<!tpu.dma_semaphore, #tpu.memory_space<semaphore_mem>>) src(%dma_wait3A_73 : memref<120x64xf32, #tpu.memory_space<hbm>>) dst(%dma_wait3A_70 : memref<120x64xf32, #tpu.memory_space<vmem_shared>>)
      tpu.yield
    }) : () -> ()
    %barrier3A = arith.constant 0 : index
    tpu.barrier barrier_id(%barrier3A)
    "tpu.region"() ({
      %run_scoped3A = tpu.sem_alloc : memref<!tpu.dma_semaphore, #tpu.memory_space<semaphore_mem>>
      %dma_start3A_65 = arith.constant 0 : i32
      %dma_start3A_66 = tpu.memref_slice %arg3[%add3A, %dma_start3A_65] : memref<32x10000xi32, #tpu.memory_space<hbm>> -> memref<1x10000xi32, #tpu.memory_space<hbm>>
      %dma_start3A_67 = tpu.memref_squeeze %dma_start3A_66 : memref<1x10000xi32, #tpu.memory_space<hbm>> -> memref<10000xi32, #tpu.memory_space<hbm>>
      %dma_start3A_68 = arith.constant 0 : i32
      %dma_start3A_69 = tpu.memref_slice %arg3[%add3A, %dma_start3A_68] : memref<32x10000xi32, #tpu.memory_space<hbm>> -> memref<1x10000xi32, #tpu.memory_space<hbm>>
      %dma_start3A_70 = tpu.memref_squeeze %dma_start3A_69 : memref<1x10000xi32, #tpu.memory_space<hbm>> -> memref<10000xi32, #tpu.memory_space<hbm>>
      tpu.enqueue_dma source(%dma_start3A_70 : memref<10000xi32, #tpu.memory_space<hbm>>) target(%arg7 : memref<10000xi32, #tpu.memory_space<vmem>>) target_semaphore(%run_scoped3A : memref<!tpu.dma_semaphore, #tpu.memory_space<semaphore_mem>>)
      %dma_wait3A = arith.constant 0 : i32
      %dma_wait3A_71 = tpu.memref_slice %arg3[%add3A, %dma_wait3A] : memref<32x10000xi32, #tpu.memory_space<hbm>> -> memref<1x10000xi32, #tpu.memory_space<hbm>>
      %dma_wait3A_72 = tpu.memref_squeeze %dma_wait3A_71 : memref<1x10000xi32, #tpu.memory_space<hbm>> -> memref<10000xi32, #tpu.memory_space<hbm>>
      %dma_wait3A_73 = arith.constant 0 : i32
      %dma_wait3A_74 = tpu.memref_slice %arg3[%add3A, %dma_wait3A_73] : memref<32x10000xi32, #tpu.memory_space<hbm>> -> memref<1x10000xi32, #tpu.memory_space<hbm>>
      %dma_wait3A_75 = tpu.memref_squeeze %dma_wait3A_74 : memref<1x10000xi32, #tpu.memory_space<hbm>> -> memref<10000xi32, #tpu.memory_space<hbm>>
      tpu.wait_dma2 semaphore(%run_scoped3A : memref<!tpu.dma_semaphore, #tpu.memory_space<semaphore_mem>>) src(%dma_wait3A_75 : memref<10000xi32, #tpu.memory_space<hbm>>) dst(%arg7 : memref<10000xi32, #tpu.memory_space<vmem>>)
      tpu.yield
    }) : () -> ()
    "tpu.region"() ({
      %run_scoped3A = tpu.sem_alloc : memref<!tpu.dma_semaphore, #tpu.memory_space<semaphore_mem>>
      %dma_start3A_65 = arith.constant 0 : i32
      %dma_start3A_66 = tpu.memref_slice %arg4[%add3A, %dma_start3A_65] : memref<32x10000xi32, #tpu.memory_space<hbm>> -> memref<1x10000xi32, #tpu.memory_space<hbm>>
      %dma_start3A_67 = tpu.memref_squeeze %dma_start3A_66 : memref<1x10000xi32, #tpu.memory_space<hbm>> -> memref<10000xi32, #tpu.memory_space<hbm>>
      %dma_start3A_68 = arith.constant 0 : i32
      %dma_start3A_69 = tpu.memref_slice %arg4[%add3A, %dma_start3A_68] : memref<32x10000xi32, #tpu.memory_space<hbm>> -> memref<1x10000xi32, #tpu.memory_space<hbm>>
      %dma_start3A_70 = tpu.memref_squeeze %dma_start3A_69 : memref<1x10000xi32, #tpu.memory_space<hbm>> -> memref<10000xi32, #tpu.memory_space<hbm>>
      tpu.enqueue_dma source(%dma_start3A_70 : memref<10000xi32, #tpu.memory_space<hbm>>) target(%arg8 : memref<10000xi32, #tpu.memory_space<vmem>>) target_semaphore(%run_scoped3A : memref<!tpu.dma_semaphore, #tpu.memory_space<semaphore_mem>>)
      %dma_wait3A = arith.constant 0 : i32
      %dma_wait3A_71 = tpu.memref_slice %arg4[%add3A, %dma_wait3A] : memref<32x10000xi32, #tpu.memory_space<hbm>> -> memref<1x10000xi32, #tpu.memory_space<hbm>>
      %dma_wait3A_72 = tpu.memref_squeeze %dma_wait3A_71 : memref<1x10000xi32, #tpu.memory_space<hbm>> -> memref<10000xi32, #tpu.memory_space<hbm>>
      %dma_wait3A_73 = arith.constant 0 : i32
      %dma_wait3A_74 = tpu.memref_slice %arg4[%add3A, %dma_wait3A_73] : memref<32x10000xi32, #tpu.memory_space<hbm>> -> memref<1x10000xi32, #tpu.memory_space<hbm>>
      %dma_wait3A_75 = tpu.memref_squeeze %dma_wait3A_74 : memref<1x10000xi32, #tpu.memory_space<hbm>> -> memref<10000xi32, #tpu.memory_space<hbm>>
      tpu.wait_dma2 semaphore(%run_scoped3A : memref<!tpu.dma_semaphore, #tpu.memory_space<semaphore_mem>>) src(%dma_wait3A_75 : memref<10000xi32, #tpu.memory_space<hbm>>) dst(%arg8 : memref<10000xi32, #tpu.memory_space<vmem>>)
      tpu.yield
    }) : () -> ()
    %dma_start3A = arith.constant 0 : i32
    %dma_start3A_31 = tpu.memref_slice %arg7[%dma_start3A] : memref<10000xi32, #tpu.memory_space<vmem>> -> memref<80xi32, #tpu.memory_space<vmem>>
    %dma_start3A_32 = arith.constant 0 : i32
    %dma_start3A_33 = arith.constant 0 : i32
    %dma_start3A_34 = tpu.memref_slice %arg2[%dma_start3A_32, %dma_start3A_33] : memref<10000x64xf32, #tpu.memory_space<hbm>> -> memref<10000x64xf32, #tpu.memory_space<hbm>>
    tpu.enqueue_indirect_dma source(%dma_start3A_34 : memref<10000x64xf32, #tpu.memory_space<hbm>>) target(%arg9 : memref<80x64xf32, #tpu.memory_space<vmem>>) offsets(%dma_start3A_31 : memref<80xi32, #tpu.memory_space<vmem>>) semaphore(%arg15 : memref<!tpu.dma_semaphore, #tpu.memory_space<semaphore_mem>>)
    %dma_start3A_35 = arith.constant 80 : i32
    %dma_start3A_36 = tpu.memref_slice %arg7[%dma_start3A_35] : memref<10000xi32, #tpu.memory_space<vmem>> -> memref<80xi32, #tpu.memory_space<vmem>>
    %dma_start3A_37 = arith.constant 0 : i32
    %dma_start3A_38 = arith.constant 0 : i32
    %dma_start3A_39 = tpu.memref_slice %arg2[%dma_start3A_37, %dma_start3A_38] : memref<10000x64xf32, #tpu.memory_space<hbm>> -> memref<10000x64xf32, #tpu.memory_space<hbm>>
    tpu.enqueue_indirect_dma source(%dma_start3A_39 : memref<10000x64xf32, #tpu.memory_space<hbm>>) target(%arg10 : memref<80x64xf32, #tpu.memory_space<vmem>>) offsets(%dma_start3A_36 : memref<80xi32, #tpu.memory_space<vmem>>) semaphore(%arg16 : memref<!tpu.dma_semaphore, #tpu.memory_space<semaphore_mem>>)
    %dma_start3A_40 = arith.constant 160 : i32
    %dma_start3A_41 = tpu.memref_slice %arg7[%dma_start3A_40] : memref<10000xi32, #tpu.memory_space<vmem>> -> memref<80xi32, #tpu.memory_space<vmem>>
    %dma_start3A_42 = arith.constant 0 : i32
    %dma_start3A_43 = arith.constant 0 : i32
    %dma_start3A_44 = tpu.memref_slice %arg2[%dma_start3A_42, %dma_start3A_43] : memref<10000x64xf32, #tpu.memory_space<hbm>> -> memref<10000x64xf32, #tpu.memory_space<hbm>>
    tpu.enqueue_indirect_dma source(%dma_start3A_44 : memref<10000x64xf32, #tpu.memory_space<hbm>>) target(%arg11 : memref<80x64xf32, #tpu.memory_space<vmem>>) offsets(%dma_start3A_41 : memref<80xi32, #tpu.memory_space<vmem>>) semaphore(%arg17 : memref<!tpu.dma_semaphore, #tpu.memory_space<semaphore_mem>>)
    %dma_start3A_45 = arith.constant 240 : i32
    %dma_start3A_46 = tpu.memref_slice %arg7[%dma_start3A_45] : memref<10000xi32, #tpu.memory_space<vmem>> -> memref<80xi32, #tpu.memory_space<vmem>>
    %dma_start3A_47 = arith.constant 0 : i32
    %dma_start3A_48 = arith.constant 0 : i32
    %dma_start3A_49 = tpu.memref_slice %arg2[%dma_start3A_47, %dma_start3A_48] : memref<10000x64xf32, #tpu.memory_space<hbm>> -> memref<10000x64xf32, #tpu.memory_space<hbm>>
    tpu.enqueue_indirect_dma source(%dma_start3A_49 : memref<10000x64xf32, #tpu.memory_space<hbm>>) target(%arg12 : memref<80x64xf32, #tpu.memory_space<vmem>>) offsets(%dma_start3A_46 : memref<80xi32, #tpu.memory_space<vmem>>) semaphore(%arg18 : memref<!tpu.dma_semaphore, #tpu.memory_space<semaphore_mem>>)
    %dma_start3A_50 = arith.constant 320 : i32
    %dma_start3A_51 = tpu.memref_slice %arg7[%dma_start3A_50] : memref<10000xi32, #tpu.memory_space<vmem>> -> memref<80xi32, #tpu.memory_space<vmem>>
    %dma_start3A_52 = arith.constant 0 : i32
    %dma_start3A_53 = arith.constant 0 : i32
    %dma_start3A_54 = tpu.memref_slice %arg2[%dma_start3A_52, %dma_start3A_53] : memref<10000x64xf32, #tpu.memory_space<hbm>> -> memref<10000x64xf32, #tpu.memory_space<hbm>>
    tpu.enqueue_indirect_dma source(%dma_start3A_54 : memref<10000x64xf32, #tpu.memory_space<hbm>>) target(%arg13 : memref<80x64xf32, #tpu.memory_space<vmem>>) offsets(%dma_start3A_51 : memref<80xi32, #tpu.memory_space<vmem>>) semaphore(%arg19 : memref<!tpu.dma_semaphore, #tpu.memory_space<semaphore_mem>>)
    %scan3A = arith.constant 0 : i32
    %scan3A_55 = arith.constant 0 : i32
    %scan3A_56 = arith.constant 25 : i32
    %scan3A_57 = arith.addi %scan3A_55, %scan3A_56 : i32
    %scan3A_58 = arith.constant 1 : i32
    %scan3A_59 = scf.for %scan3A_65 = %scan3A_55 to %scan3A_57 step %scan3A_58 iter_args(%scan3A_66 = %scan3A) -> (i32)  : i32 {
      %mul3A_67 = arith.constant 5 : i32
      %mul3A_68 = arith.muli %mul3A_67, %scan3A_65 : i32
      %add3A_69 = arith.constant 0 : i32
      %add3A_70 = arith.addi %mul3A_68, %add3A_69 : i32
      %mul3A_71 = arith.constant 80 : i32
      %mul3A_72 = arith.muli %add3A_70, %mul3A_71 : i32
      %dma_wait3A = tpu.memref_slice %arg7[%mul3A_72] : memref<10000xi32, #tpu.memory_space<vmem>> -> memref<80xi32, #tpu.memory_space<vmem>>
      %dma_wait3A_73 = arith.constant 0 : i32
      %dma_wait3A_74 = arith.constant 0 : i32
      %dma_wait3A_75 = tpu.memref_slice %arg2[%dma_wait3A_73, %dma_wait3A_74] : memref<10000x64xf32, #tpu.memory_space<hbm>> -> memref<10000x64xf32, #tpu.memory_space<hbm>>
      tpu.wait_indirect_dma semaphore(%arg15 : memref<!tpu.dma_semaphore, #tpu.memory_space<semaphore_mem>>) src(%dma_wait3A_75 : memref<10000x64xf32, #tpu.memory_space<hbm>>) dst(%arg9 : memref<80x64xf32, #tpu.memory_space<vmem>>)
      %mul3A_76 = arith.constant 80 : i32
      %mul3A_77 = arith.muli %add3A_70, %mul3A_76 : i32
      "tpu.region"() ({
        %run_scoped3A = tpu.sem_alloc : memref<!tpu.dma_semaphore, #tpu.memory_space<semaphore_mem>>
        %dma_start3A_151 = tpu.memref_slice %arg8[%mul3A_77] : memref<10000xi32, #tpu.memory_space<vmem>> -> memref<80xi32, #tpu.memory_space<vmem>>
        %dma_start3A_152 = arith.constant 0 : i32
        %dma_start3A_153 = arith.constant 0 : i32
        %dma_start3A_154 = tpu.memref_slice %arg14[%dma_start3A_152, %dma_start3A_153] : memref<10000x64xf32, #tpu.memory_space<vmem_shared>> -> memref<10000x64xf32, #tpu.memory_space<vmem_shared>>
        tpu.enqueue_indirect_dma source(%arg9 : memref<80x64xf32, #tpu.memory_space<vmem>>) target(%dma_start3A_154 : memref<10000x64xf32, #tpu.memory_space<vmem_shared>>) offsets(%dma_start3A_151 : memref<80xi32, #tpu.memory_space<vmem>>) semaphore(%run_scoped3A : memref<!tpu.dma_semaphore, #tpu.memory_space<semaphore_mem>>) {add = true}
        %dma_wait3A_155 = tpu.memref_slice %arg8[%mul3A_77] : memref<10000xi32, #tpu.memory_space<vmem>> -> memref<80xi32, #tpu.memory_space<vmem>>
        %dma_wait3A_156 = arith.constant 0 : i32
        %dma_wait3A_157 = arith.constant 0 : i32
        %dma_wait3A_158 = tpu.memref_slice %arg14[%dma_wait3A_156, %dma_wait3A_157] : memref<10000x64xf32, #tpu.memory_space<vmem_shared>> -> memref<10000x64xf32, #tpu.memory_space<vmem_shared>>
        tpu.wait_indirect_dma semaphore(%run_scoped3A : memref<!tpu.dma_semaphore, #tpu.memory_space<semaphore_mem>>) src(%arg9 : memref<80x64xf32, #tpu.memory_space<vmem>>) dst(%dma_wait3A_158 : memref<10000x64xf32, #tpu.memory_space<vmem_shared>>)
        tpu.yield
      }) : () -> ()
      %add3A_78 = arith.constant 5 : i32
      %add3A_79 = arith.addi %add3A_70, %add3A_78 : i32
      %lt3A = arith.constant 125 : i32
      %lt3A_80 = arith.cmpi slt, %add3A_79, %lt3A : i32
      %convert_element_type3A = arith.extui %lt3A_80 : i1 to i32
      %cond3A = arith.constant 0 : i32
      %cond3A_81 = arith.cmpi ne, %convert_element_type3A, %cond3A : i32
      scf.if %cond3A_81 {
        %add3A_151 = arith.constant 5 : i32
        %add3A_152 = arith.addi %add3A_70, %add3A_151 : i32
        %mul3A_153 = arith.constant 80 : i32
        %mul3A_154 = arith.muli %add3A_152, %mul3A_153 : i32
        %dma_start3A_155 = tpu.memref_slice %arg7[%mul3A_154] : memref<10000xi32, #tpu.memory_space<vmem>> -> memref<80xi32, #tpu.memory_space<vmem>>
        %dma_start3A_156 = arith.constant 0 : i32
        %dma_start3A_157 = arith.constant 0 : i32
        %dma_start3A_158 = tpu.memref_slice %arg2[%dma_start3A_156, %dma_start3A_157] : memref<10000x64xf32, #tpu.memory_space<hbm>> -> memref<10000x64xf32, #tpu.memory_space<hbm>>
        tpu.enqueue_indirect_dma source(%dma_start3A_158 : memref<10000x64xf32, #tpu.memory_space<hbm>>) target(%arg9 : memref<80x64xf32, #tpu.memory_space<vmem>>) offsets(%dma_start3A_155 : memref<80xi32, #tpu.memory_space<vmem>>) semaphore(%arg15 : memref<!tpu.dma_semaphore, #tpu.memory_space<semaphore_mem>>)
      } else {
      }
      %add3A_82 = arith.constant 1 : i32
      %add3A_83 = arith.addi %mul3A_68, %add3A_82 : i32
      %mul3A_84 = arith.constant 80 : i32
      %mul3A_85 = arith.muli %add3A_83, %mul3A_84 : i32
      %dma_wait3A_86 = tpu.memref_slice %arg7[%mul3A_85] : memref<10000xi32, #tpu.memory_space<vmem>> -> memref<80xi32, #tpu.memory_space<vmem>>
      %dma_wait3A_87 = arith.constant 0 : i32
      %dma_wait3A_88 = arith.constant 0 : i32
      %dma_wait3A_89 = tpu.memref_slice %arg2[%dma_wait3A_87, %dma_wait3A_88] : memref<10000x64xf32, #tpu.memory_space<hbm>> -> memref<10000x64xf32, #tpu.memory_space<hbm>>
      tpu.wait_indirect_dma semaphore(%arg16 : memref<!tpu.dma_semaphore, #tpu.memory_space<semaphore_mem>>) src(%dma_wait3A_89 : memref<10000x64xf32, #tpu.memory_space<hbm>>) dst(%arg10 : memref<80x64xf32, #tpu.memory_space<vmem>>)
      %mul3A_90 = arith.constant 80 : i32
      %mul3A_91 = arith.muli %add3A_83, %mul3A_90 : i32
      "tpu.region"() ({
        %run_scoped3A = tpu.sem_alloc : memref<!tpu.dma_semaphore, #tpu.memory_space<semaphore_mem>>
        %dma_start3A_151 = tpu.memref_slice %arg8[%mul3A_91] : memref<10000xi32, #tpu.memory_space<vmem>> -> memref<80xi32, #tpu.memory_space<vmem>>
        %dma_start3A_152 = arith.constant 0 : i32
        %dma_start3A_153 = arith.constant 0 : i32
        %dma_start3A_154 = tpu.memref_slice %arg14[%dma_start3A_152, %dma_start3A_153] : memref<10000x64xf32, #tpu.memory_space<vmem_shared>> -> memref<10000x64xf32, #tpu.memory_space<vmem_shared>>
        tpu.enqueue_indirect_dma source(%arg10 : memref<80x64xf32, #tpu.memory_space<vmem>>) target(%dma_start3A_154 : memref<10000x64xf32, #tpu.memory_space<vmem_shared>>) offsets(%dma_start3A_151 : memref<80xi32, #tpu.memory_space<vmem>>) semaphore(%run_scoped3A : memref<!tpu.dma_semaphore, #tpu.memory_space<semaphore_mem>>) {add = true}
        %dma_wait3A_155 = tpu.memref_slice %arg8[%mul3A_91] : memref<10000xi32, #tpu.memory_space<vmem>> -> memref<80xi32, #tpu.memory_space<vmem>>
        %dma_wait3A_156 = arith.constant 0 : i32
        %dma_wait3A_157 = arith.constant 0 : i32
        %dma_wait3A_158 = tpu.memref_slice %arg14[%dma_wait3A_156, %dma_wait3A_157] : memref<10000x64xf32, #tpu.memory_space<vmem_shared>> -> memref<10000x64xf32, #tpu.memory_space<vmem_shared>>
        tpu.wait_indirect_dma semaphore(%run_scoped3A : memref<!tpu.dma_semaphore, #tpu.memory_space<semaphore_mem>>) src(%arg10 : memref<80x64xf32, #tpu.memory_space<vmem>>) dst(%dma_wait3A_158 : memref<10000x64xf32, #tpu.memory_space<vmem_shared>>)
        tpu.yield
      }) : () -> ()
      %add3A_92 = arith.constant 5 : i32
      %add3A_93 = arith.addi %add3A_83, %add3A_92 : i32
      %lt3A_94 = arith.constant 125 : i32
      %lt3A_95 = arith.cmpi slt, %add3A_93, %lt3A_94 : i32
      %convert_element_type3A_96 = arith.extui %lt3A_95 : i1 to i32
      %cond3A_97 = arith.constant 0 : i32
      %cond3A_98 = arith.cmpi ne, %convert_element_type3A_96, %cond3A_97 : i32
      scf.if %cond3A_98 {
        %add3A_151 = arith.constant 5 : i32
        %add3A_152 = arith.addi %add3A_83, %add3A_151 : i32
        %mul3A_153 = arith.constant 80 : i32
        %mul3A_154 = arith.muli %add3A_152, %mul3A_153 : i32
        %dma_start3A_155 = tpu.memref_slice %arg7[%mul3A_154] : memref<10000xi32, #tpu.memory_space<vmem>> -> memref<80xi32, #tpu.memory_space<vmem>>
        %dma_start3A_156 = arith.constant 0 : i32
        %dma_start3A_157 = arith.constant 0 : i32
        %dma_start3A_158 = tpu.memref_slice %arg2[%dma_start3A_156, %dma_start3A_157] : memref<10000x64xf32, #tpu.memory_space<hbm>> -> memref<10000x64xf32, #tpu.memory_space<hbm>>
        tpu.enqueue_indirect_dma source(%dma_start3A_158 : memref<10000x64xf32, #tpu.memory_space<hbm>>) target(%arg10 : memref<80x64xf32, #tpu.memory_space<vmem>>) offsets(%dma_start3A_155 : memref<80xi32, #tpu.memory_space<vmem>>) semaphore(%arg16 : memref<!tpu.dma_semaphore, #tpu.memory_space<semaphore_mem>>)
      } else {
      }
      %add3A_99 = arith.constant 2 : i32
      %add3A_100 = arith.addi %mul3A_68, %add3A_99 : i32
      %mul3A_101 = arith.constant 80 : i32
      %mul3A_102 = arith.muli %add3A_100, %mul3A_101 : i32
      %dma_wait3A_103 = tpu.memref_slice %arg7[%mul3A_102] : memref<10000xi32, #tpu.memory_space<vmem>> -> memref<80xi32, #tpu.memory_space<vmem>>
      %dma_wait3A_104 = arith.constant 0 : i32
      %dma_wait3A_105 = arith.constant 0 : i32
      %dma_wait3A_106 = tpu.memref_slice %arg2[%dma_wait3A_104, %dma_wait3A_105] : memref<10000x64xf32, #tpu.memory_space<hbm>> -> memref<10000x64xf32, #tpu.memory_space<hbm>>
      tpu.wait_indirect_dma semaphore(%arg17 : memref<!tpu.dma_semaphore, #tpu.memory_space<semaphore_mem>>) src(%dma_wait3A_106 : memref<10000x64xf32, #tpu.memory_space<hbm>>) dst(%arg11 : memref<80x64xf32, #tpu.memory_space<vmem>>)
      %mul3A_107 = arith.constant 80 : i32
      %mul3A_108 = arith.muli %add3A_100, %mul3A_107 : i32
      "tpu.region"() ({
        %run_scoped3A = tpu.sem_alloc : memref<!tpu.dma_semaphore, #tpu.memory_space<semaphore_mem>>
        %dma_start3A_151 = tpu.memref_slice %arg8[%mul3A_108] : memref<10000xi32, #tpu.memory_space<vmem>> -> memref<80xi32, #tpu.memory_space<vmem>>
        %dma_start3A_152 = arith.constant 0 : i32
        %dma_start3A_153 = arith.constant 0 : i32
        %dma_start3A_154 = tpu.memref_slice %arg14[%dma_start3A_152, %dma_start3A_153] : memref<10000x64xf32, #tpu.memory_space<vmem_shared>> -> memref<10000x64xf32, #tpu.memory_space<vmem_shared>>
        tpu.enqueue_indirect_dma source(%arg11 : memref<80x64xf32, #tpu.memory_space<vmem>>) target(%dma_start3A_154 : memref<10000x64xf32, #tpu.memory_space<vmem_shared>>) offsets(%dma_start3A_151 : memref<80xi32, #tpu.memory_space<vmem>>) semaphore(%run_scoped3A : memref<!tpu.dma_semaphore, #tpu.memory_space<semaphore_mem>>) {add = true}
        %dma_wait3A_155 = tpu.memref_slice %arg8[%mul3A_108] : memref<10000xi32, #tpu.memory_space<vmem>> -> memref<80xi32, #tpu.memory_space<vmem>>
        %dma_wait3A_156 = arith.constant 0 : i32
        %dma_wait3A_157 = arith.constant 0 : i32
        %dma_wait3A_158 = tpu.memref_slice %arg14[%dma_wait3A_156, %dma_wait3A_157] : memref<10000x64xf32, #tpu.memory_space<vmem_shared>> -> memref<10000x64xf32, #tpu.memory_space<vmem_shared>>
        tpu.wait_indirect_dma semaphore(%run_scoped3A : memref<!tpu.dma_semaphore, #tpu.memory_space<semaphore_mem>>) src(%arg11 : memref<80x64xf32, #tpu.memory_space<vmem>>) dst(%dma_wait3A_158 : memref<10000x64xf32, #tpu.memory_space<vmem_shared>>)
        tpu.yield
      }) : () -> ()
      %add3A_109 = arith.constant 5 : i32
      %add3A_110 = arith.addi %add3A_100, %add3A_109 : i32
      %lt3A_111 = arith.constant 125 : i32
      %lt3A_112 = arith.cmpi slt, %add3A_110, %lt3A_111 : i32
      %convert_element_type3A_113 = arith.extui %lt3A_112 : i1 to i32
      %cond3A_114 = arith.constant 0 : i32
      %cond3A_115 = arith.cmpi ne, %convert_element_type3A_113, %cond3A_114 : i32
      scf.if %cond3A_115 {
        %add3A_151 = arith.constant 5 : i32
        %add3A_152 = arith.addi %add3A_100, %add3A_151 : i32
        %mul3A_153 = arith.constant 80 : i32
        %mul3A_154 = arith.muli %add3A_152, %mul3A_153 : i32
        %dma_start3A_155 = tpu.memref_slice %arg7[%mul3A_154] : memref<10000xi32, #tpu.memory_space<vmem>> -> memref<80xi32, #tpu.memory_space<vmem>>
        %dma_start3A_156 = arith.constant 0 : i32
        %dma_start3A_157 = arith.constant 0 : i32
        %dma_start3A_158 = tpu.memref_slice %arg2[%dma_start3A_156, %dma_start3A_157] : memref<10000x64xf32, #tpu.memory_space<hbm>> -> memref<10000x64xf32, #tpu.memory_space<hbm>>
        tpu.enqueue_indirect_dma source(%dma_start3A_158 : memref<10000x64xf32, #tpu.memory_space<hbm>>) target(%arg11 : memref<80x64xf32, #tpu.memory_space<vmem>>) offsets(%dma_start3A_155 : memref<80xi32, #tpu.memory_space<vmem>>) semaphore(%arg17 : memref<!tpu.dma_semaphore, #tpu.memory_space<semaphore_mem>>)
      } else {
      }
      %add3A_116 = arith.constant 3 : i32
      %add3A_117 = arith.addi %mul3A_68, %add3A_116 : i32
      %mul3A_118 = arith.constant 80 : i32
      %mul3A_119 = arith.muli %add3A_117, %mul3A_118 : i32
      %dma_wait3A_120 = tpu.memref_slice %arg7[%mul3A_119] : memref<10000xi32, #tpu.memory_space<vmem>> -> memref<80xi32, #tpu.memory_space<vmem>>
      %dma_wait3A_121 = arith.constant 0 : i32
      %dma_wait3A_122 = arith.constant 0 : i32
      %dma_wait3A_123 = tpu.memref_slice %arg2[%dma_wait3A_121, %dma_wait3A_122] : memref<10000x64xf32, #tpu.memory_space<hbm>> -> memref<10000x64xf32, #tpu.memory_space<hbm>>
      tpu.wait_indirect_dma semaphore(%arg18 : memref<!tpu.dma_semaphore, #tpu.memory_space<semaphore_mem>>) src(%dma_wait3A_123 : memref<10000x64xf32, #tpu.memory_space<hbm>>) dst(%arg12 : memref<80x64xf32, #tpu.memory_space<vmem>>)
      %mul3A_124 = arith.constant 80 : i32
      %mul3A_125 = arith.muli %add3A_117, %mul3A_124 : i32
      "tpu.region"() ({
        %run_scoped3A = tpu.sem_alloc : memref<!tpu.dma_semaphore, #tpu.memory_space<semaphore_mem>>
        %dma_start3A_151 = tpu.memref_slice %arg8[%mul3A_125] : memref<10000xi32, #tpu.memory_space<vmem>> -> memref<80xi32, #tpu.memory_space<vmem>>
        %dma_start3A_152 = arith.constant 0 : i32
        %dma_start3A_153 = arith.constant 0 : i32
        %dma_start3A_154 = tpu.memref_slice %arg14[%dma_start3A_152, %dma_start3A_153] : memref<10000x64xf32, #tpu.memory_space<vmem_shared>> -> memref<10000x64xf32, #tpu.memory_space<vmem_shared>>
        tpu.enqueue_indirect_dma source(%arg12 : memref<80x64xf32, #tpu.memory_space<vmem>>) target(%dma_start3A_154 : memref<10000x64xf32, #tpu.memory_space<vmem_shared>>) offsets(%dma_start3A_151 : memref<80xi32, #tpu.memory_space<vmem>>) semaphore(%run_scoped3A : memref<!tpu.dma_semaphore, #tpu.memory_space<semaphore_mem>>) {add = true}
        %dma_wait3A_155 = tpu.memref_slice %arg8[%mul3A_125] : memref<10000xi32, #tpu.memory_space<vmem>> -> memref<80xi32, #tpu.memory_space<vmem>>
        %dma_wait3A_156 = arith.constant 0 : i32
        %dma_wait3A_157 = arith.constant 0 : i32
        %dma_wait3A_158 = tpu.memref_slice %arg14[%dma_wait3A_156, %dma_wait3A_157] : memref<10000x64xf32, #tpu.memory_space<vmem_shared>> -> memref<10000x64xf32, #tpu.memory_space<vmem_shared>>
        tpu.wait_indirect_dma semaphore(%run_scoped3A : memref<!tpu.dma_semaphore, #tpu.memory_space<semaphore_mem>>) src(%arg12 : memref<80x64xf32, #tpu.memory_space<vmem>>) dst(%dma_wait3A_158 : memref<10000x64xf32, #tpu.memory_space<vmem_shared>>)
        tpu.yield
      }) : () -> ()
      %add3A_126 = arith.constant 5 : i32
      %add3A_127 = arith.addi %add3A_117, %add3A_126 : i32
      %lt3A_128 = arith.constant 125 : i32
      %lt3A_129 = arith.cmpi slt, %add3A_127, %lt3A_128 : i32
      %convert_element_type3A_130 = arith.extui %lt3A_129 : i1 to i32
      %cond3A_131 = arith.constant 0 : i32
      %cond3A_132 = arith.cmpi ne, %convert_element_type3A_130, %cond3A_131 : i32
      scf.if %cond3A_132 {
        %add3A_151 = arith.constant 5 : i32
        %add3A_152 = arith.addi %add3A_117, %add3A_151 : i32
        %mul3A_153 = arith.constant 80 : i32
        %mul3A_154 = arith.muli %add3A_152, %mul3A_153 : i32
        %dma_start3A_155 = tpu.memref_slice %arg7[%mul3A_154] : memref<10000xi32, #tpu.memory_space<vmem>> -> memref<80xi32, #tpu.memory_space<vmem>>
        %dma_start3A_156 = arith.constant 0 : i32
        %dma_start3A_157 = arith.constant 0 : i32
        %dma_start3A_158 = tpu.memref_slice %arg2[%dma_start3A_156, %dma_start3A_157] : memref<10000x64xf32, #tpu.memory_space<hbm>> -> memref<10000x64xf32, #tpu.memory_space<hbm>>
        tpu.enqueue_indirect_dma source(%dma_start3A_158 : memref<10000x64xf32, #tpu.memory_space<hbm>>) target(%arg12 : memref<80x64xf32, #tpu.memory_space<vmem>>) offsets(%dma_start3A_155 : memref<80xi32, #tpu.memory_space<vmem>>) semaphore(%arg18 : memref<!tpu.dma_semaphore, #tpu.memory_space<semaphore_mem>>)
      } else {
      }
      %add3A_133 = arith.constant 4 : i32
      %add3A_134 = arith.addi %mul3A_68, %add3A_133 : i32
      %mul3A_135 = arith.constant 80 : i32
      %mul3A_136 = arith.muli %add3A_134, %mul3A_135 : i32
      %dma_wait3A_137 = tpu.memref_slice %arg7[%mul3A_136] : memref<10000xi32, #tpu.memory_space<vmem>> -> memref<80xi32, #tpu.memory_space<vmem>>
      %dma_wait3A_138 = arith.constant 0 : i32
      %dma_wait3A_139 = arith.constant 0 : i32
      %dma_wait3A_140 = tpu.memref_slice %arg2[%dma_wait3A_138, %dma_wait3A_139] : memref<10000x64xf32, #tpu.memory_space<hbm>> -> memref<10000x64xf32, #tpu.memory_space<hbm>>
      tpu.wait_indirect_dma semaphore(%arg19 : memref<!tpu.dma_semaphore, #tpu.memory_space<semaphore_mem>>) src(%dma_wait3A_140 : memref<10000x64xf32, #tpu.memory_space<hbm>>) dst(%arg13 : memref<80x64xf32, #tpu.memory_space<vmem>>)
      %mul3A_141 = arith.constant 80 : i32
      %mul3A_142 = arith.muli %add3A_134, %mul3A_141 : i32
      "tpu.region"() ({
        %run_scoped3A = tpu.sem_alloc : memref<!tpu.dma_semaphore, #tpu.memory_space<semaphore_mem>>
        %dma_start3A_151 = tpu.memref_slice %arg8[%mul3A_142] : memref<10000xi32, #tpu.memory_space<vmem>> -> memref<80xi32, #tpu.memory_space<vmem>>
        %dma_start3A_152 = arith.constant 0 : i32
        %dma_start3A_153 = arith.constant 0 : i32
        %dma_start3A_154 = tpu.memref_slice %arg14[%dma_start3A_152, %dma_start3A_153] : memref<10000x64xf32, #tpu.memory_space<vmem_shared>> -> memref<10000x64xf32, #tpu.memory_space<vmem_shared>>
        tpu.enqueue_indirect_dma source(%arg13 : memref<80x64xf32, #tpu.memory_space<vmem>>) target(%dma_start3A_154 : memref<10000x64xf32, #tpu.memory_space<vmem_shared>>) offsets(%dma_start3A_151 : memref<80xi32, #tpu.memory_space<vmem>>) semaphore(%run_scoped3A : memref<!tpu.dma_semaphore, #tpu.memory_space<semaphore_mem>>) {add = true}
        %dma_wait3A_155 = tpu.memref_slice %arg8[%mul3A_142] : memref<10000xi32, #tpu.memory_space<vmem>> -> memref<80xi32, #tpu.memory_space<vmem>>
        %dma_wait3A_156 = arith.constant 0 : i32
        %dma_wait3A_157 = arith.constant 0 : i32
        %dma_wait3A_158 = tpu.memref_slice %arg14[%dma_wait3A_156, %dma_wait3A_157] : memref<10000x64xf32, #tpu.memory_space<vmem_shared>> -> memref<10000x64xf32, #tpu.memory_space<vmem_shared>>
        tpu.wait_indirect_dma semaphore(%run_scoped3A : memref<!tpu.dma_semaphore, #tpu.memory_space<semaphore_mem>>) src(%arg13 : memref<80x64xf32, #tpu.memory_space<vmem>>) dst(%dma_wait3A_158 : memref<10000x64xf32, #tpu.memory_space<vmem_shared>>)
        tpu.yield
      }) : () -> ()
      %add3A_143 = arith.constant 5 : i32
      %add3A_144 = arith.addi %add3A_134, %add3A_143 : i32
      %lt3A_145 = arith.constant 125 : i32
      %lt3A_146 = arith.cmpi slt, %add3A_144, %lt3A_145 : i32
      %convert_element_type3A_147 = arith.extui %lt3A_146 : i1 to i32
      %cond3A_148 = arith.constant 0 : i32
      %cond3A_149 = arith.cmpi ne, %convert_element_type3A_147, %cond3A_148 : i32
      scf.if %cond3A_149 {
        %add3A_151 = arith.constant 5 : i32
        %add3A_152 = arith.addi %add3A_134, %add3A_151 : i32
        %mul3A_153 = arith.constant 80 : i32
        %mul3A_154 = arith.muli %add3A_152, %mul3A_153 : i32
        %dma_start3A_155 = tpu.memref_slice %arg7[%mul3A_154] : memref<10000xi32, #tpu.memory_space<vmem>> -> memref<80xi32, #tpu.memory_space<vmem>>
        %dma_start3A_156 = arith.constant 0 : i32
        %dma_start3A_157 = arith.constant 0 : i32
        %dma_start3A_158 = tpu.memref_slice %arg2[%dma_start3A_156, %dma_start3A_157] : memref<10000x64xf32, #tpu.memory_space<hbm>> -> memref<10000x64xf32, #tpu.memory_space<hbm>>
        tpu.enqueue_indirect_dma source(%dma_start3A_158 : memref<10000x64xf32, #tpu.memory_space<hbm>>) target(%arg13 : memref<80x64xf32, #tpu.memory_space<vmem>>) offsets(%dma_start3A_155 : memref<80xi32, #tpu.memory_space<vmem>>) semaphore(%arg19 : memref<!tpu.dma_semaphore, #tpu.memory_space<semaphore_mem>>)
      } else {
      }
      %scan3A_150 = arith.constant 0 : i32
      scf.yield %scan3A_150 : i32
    }
    %scan3A_60 = arith.constant 25 : i32
    %barrier3A_61 = arith.constant 0 : index
    tpu.barrier barrier_id(%barrier3A_61)
    %mul3A_62 = arith.constant 10000 : i32
    %mul3A_63 = arith.muli %arg0, %mul3A_62 : i32
    %add3A_64 = arith.addi %mul3A_63, %multiple_of3A : i32
    "tpu.region"() ({
      %run_scoped3A = tpu.sem_alloc : memref<!tpu.dma_semaphore, #tpu.memory_space<semaphore_mem>>
      %dma_start3A_65 = arith.constant 0 : i32
      %dma_start3A_66 = tpu.memref_slice %arg6[%add3A_64, %dma_start3A_65] : memref<20000x64xf32, #tpu.memory_space<hbm>> -> memref<632x64xf32, #tpu.memory_space<hbm>>
      %dma_start3A_67 = arith.constant 0 : i32
      %dma_start3A_68 = tpu.memref_slice %arg14[%multiple_of3A, %dma_start3A_67] : memref<10000x64xf32, #tpu.memory_space<vmem_shared>> -> memref<632x64xf32, #tpu.memory_space<vmem_shared>>
      tpu.enqueue_dma source(%dma_start3A_68 : memref<632x64xf32, #tpu.memory_space<vmem_shared>>) target(%dma_start3A_66 : memref<632x64xf32, #tpu.memory_space<hbm>>) target_semaphore(%run_scoped3A : memref<!tpu.dma_semaphore, #tpu.memory_space<semaphore_mem>>)
      %dma_wait3A = arith.constant 0 : i32
      %dma_wait3A_69 = tpu.memref_slice %arg6[%add3A_64, %dma_wait3A] : memref<20000x64xf32, #tpu.memory_space<hbm>> -> memref<632x64xf32, #tpu.memory_space<hbm>>
      %dma_wait3A_70 = arith.constant 0 : i32
      %dma_wait3A_71 = tpu.memref_slice %arg14[%multiple_of3A, %dma_wait3A_70] : memref<10000x64xf32, #tpu.memory_space<vmem_shared>> -> memref<632x64xf32, #tpu.memory_space<vmem_shared>>
      tpu.wait_dma2 semaphore(%run_scoped3A : memref<!tpu.dma_semaphore, #tpu.memory_space<semaphore_mem>>) src(%dma_wait3A_71 : memref<632x64xf32, #tpu.memory_space<vmem_shared>>) dst(%dma_wait3A_69 : memref<632x64xf32, #tpu.memory_space<hbm>>)
      tpu.yield
    }) : () -> ()
    return
  }
}

module attributes {stable_mosaic.version = 14 : i64} {
  func.func @body(%arg0: memref<2x10000x32xf32, #tpu.memory_space<vmem>>, %arg1: memref<10000x128xf32, #tpu.memory_space<vmem>>, %arg2: memref<128x128xf32, #tpu.memory_space<vmem>>, %arg3: memref<10000x128xf32, #tpu.memory_space<vmem>>, %arg4: memref<10000x1xf32, #tpu.memory_space<vmem>>) attributes {dimension_semantics = [], scalar_prefetch = 0 : i64, scratch_operands = 0 : i64, tpu.core_type = #tpu.core_type<tc>} {
    %get3A = arith.constant 0 : index
    %get3A_0 = arith.constant 0 : index
    %get3A_1 = arith.constant 0 : index
    %get3A_2 = vector.load %arg0[%get3A, %get3A_0, %get3A_1] : memref<2x10000x32xf32, #tpu.memory_space<vmem>>, vector<1x10000x1xf32>
    %get3A_3 = vector.shape_cast %get3A_2 : vector<1x10000x1xf32> to vector<10000x1xf32>
    %get3A_4 = arith.constant 1 : index
    %get3A_5 = arith.constant 0 : index
    %get3A_6 = arith.constant 0 : index
    %get3A_7 = vector.load %arg0[%get3A_4, %get3A_5, %get3A_6] : memref<2x10000x32xf32, #tpu.memory_space<vmem>>, vector<1x10000x1xf32>
    %get3A_8 = vector.shape_cast %get3A_7 : vector<1x10000x1xf32> to vector<10000x1xf32>
    %add3A = arith.addf %get3A_3, %get3A_8 : vector<10000x1xf32>
    %max3A = arith.constant 1.000000e+00 : f32
    %max3A_9 = vector.broadcast %max3A : f32 to vector<10000x1xf32>
    %max3A_10 = arith.maximumf %add3A, %max3A_9 : vector<10000x1xf32>
    %rsqrt3A = math.rsqrt %max3A_10 : vector<10000x1xf32>
    %swap3A = arith.constant 0 : index
    %swap3A_11 = arith.constant 0 : index
    %swap3A_12 = vector.load %arg4[%swap3A, %swap3A_11] : memref<10000x1xf32, #tpu.memory_space<vmem>>, vector<10000x1xf32>
    tpu.vector_store %arg4[%swap3A, %swap3A_11], %rsqrt3A {strides = array<i32>} : memref<10000x1xf32, #tpu.memory_space<vmem>>, vector<10000x1xf32>,
    %get3A_13 = arith.constant 0 : index
    %get3A_14 = arith.constant 0 : index
    %get3A_15 = vector.load %arg1[%get3A_13, %get3A_14] : memref<10000x128xf32, #tpu.memory_space<vmem>>, vector<10000x128xf32>
    %get3A_16 = arith.constant 0 : index
    %get3A_17 = arith.constant 0 : index
    %get3A_18 = vector.load %arg2[%get3A_16, %get3A_17] : memref<128x128xf32, #tpu.memory_space<vmem>>, vector<128x128xf32>
    %dot_general3A = arith.constant dense<0.000000e+00> : vector<10000x128xf32>
    %dot_general3A_19 = tpu.matmul %get3A_15, %get3A_18, %dot_general3A {dimension_numbers = #tpu.dot_dimension_numbers<[1], [0], [0], [1], [0, 0, 1, 1], [], []>, transpose_lhs_hint = false} : vector<10000x128xf32>, vector<128x128xf32>, vector<10000x128xf32> -> vector<10000x128xf32>
    %mul3A = vector.broadcast %rsqrt3A : vector<10000x1xf32> to vector<10000x128xf32>
    %mul3A_20 = arith.mulf %dot_general3A_19, %mul3A : vector<10000x128xf32>
    %swap3A_21 = arith.constant 0 : index
    %swap3A_22 = arith.constant 0 : index
    %swap3A_23 = vector.load %arg3[%swap3A_21, %swap3A_22] : memref<10000x128xf32, #tpu.memory_space<vmem>>, vector<10000x128xf32>
    tpu.vector_store %arg3[%swap3A_21, %swap3A_22], %mul3A_20 {strides = array<i32>} : memref<10000x128xf32, #tpu.memory_space<vmem>>, vector<10000x128xf32>,
    return
  }
}

module attributes {stable_mosaic.version = 14 : i64} {
  func.func @body(%arg0: memref<2x10000x128xf32, #tpu.memory_space<vmem>>, %arg1: memref<10000x1xf32, #tpu.memory_space<vmem>>, %arg2: memref<128xf32, #tpu.memory_space<vmem>>, %arg3: memref<128x64xf32, #tpu.memory_space<vmem>>, %arg4: memref<10000x64xf32, #tpu.memory_space<vmem>>) attributes {dimension_semantics = [], scalar_prefetch = 0 : i64, scratch_operands = 0 : i64, tpu.core_type = #tpu.core_type<tc>} {
    %get3A = arith.constant 0 : index
    %get3A_0 = arith.constant 0 : index
    %get3A_1 = arith.constant 0 : index
    %get3A_2 = vector.load %arg0[%get3A, %get3A_0, %get3A_1] : memref<2x10000x128xf32, #tpu.memory_space<vmem>>, vector<1x10000x128xf32>
    %get3A_3 = vector.shape_cast %get3A_2 : vector<1x10000x128xf32> to vector<10000x128xf32>
    %get3A_4 = arith.constant 1 : index
    %get3A_5 = arith.constant 0 : index
    %get3A_6 = arith.constant 0 : index
    %get3A_7 = vector.load %arg0[%get3A_4, %get3A_5, %get3A_6] : memref<2x10000x128xf32, #tpu.memory_space<vmem>>, vector<1x10000x128xf32>
    %get3A_8 = vector.shape_cast %get3A_7 : vector<1x10000x128xf32> to vector<10000x128xf32>
    %add3A = arith.addf %get3A_3, %get3A_8 : vector<10000x128xf32>
    %get3A_9 = arith.constant 0 : index
    %get3A_10 = arith.constant 0 : index
    %get3A_11 = vector.load %arg1[%get3A_9, %get3A_10] : memref<10000x1xf32, #tpu.memory_space<vmem>>, vector<10000x1xf32>
    %mul3A = vector.broadcast %get3A_11 : vector<10000x1xf32> to vector<10000x128xf32>
    %mul3A_12 = arith.mulf %add3A, %mul3A : vector<10000x128xf32>
    %get3A_13 = arith.constant 0 : index
    %get3A_14 = vector.load %arg2[%get3A_13] : memref<128xf32, #tpu.memory_space<vmem>>, vector<128xf32>
    %broadcast_in_dim3A = vector.shape_cast %get3A_14 : vector<128xf32> to vector<1x128xf32>
    %add3A_15 = vector.broadcast %broadcast_in_dim3A : vector<1x128xf32> to vector<10000x128xf32>
    %add3A_16 = arith.addf %mul3A_12, %add3A_15 : vector<10000x128xf32>
    %gt3A = arith.constant 0.000000e+00 : f32
    %gt3A_17 = vector.broadcast %gt3A : f32 to vector<10000x128xf32>
    %gt3A_18 = arith.cmpf ogt, %add3A_16, %gt3A_17 : vector<10000x128xf32>
    %exp3A = math.exp %add3A_16 : vector<10000x128xf32>
    %sub3A = arith.constant 1.000000e+00 : f32
    %sub3A_19 = vector.broadcast %sub3A : f32 to vector<10000x128xf32>
    %sub3A_20 = arith.subf %exp3A, %sub3A_19 : vector<10000x128xf32>
    %select_n3A = arith.select %gt3A_18, %add3A_16, %sub3A_20 : vector<10000x128xi1>, vector<10000x128xf32>
    %get3A_21 = arith.constant 0 : index
    %get3A_22 = arith.constant 0 : index
    %get3A_23 = vector.load %arg3[%get3A_21, %get3A_22] : memref<128x64xf32, #tpu.memory_space<vmem>>, vector<128x64xf32>
    %dot_general3A = arith.constant dense<0.000000e+00> : vector<10000x64xf32>
    %dot_general3A_24 = tpu.matmul %select_n3A, %get3A_23, %dot_general3A {dimension_numbers = #tpu.dot_dimension_numbers<[1], [0], [0], [1], [0, 0, 1, 1], [], []>, transpose_lhs_hint = false} : vector<10000x128xf32>, vector<128x64xf32>, vector<10000x64xf32> -> vector<10000x64xf32>
    %get3A_25 = arith.constant 0 : index
    %get3A_26 = arith.constant 0 : index
    %get3A_27 = vector.load %arg1[%get3A_25, %get3A_26] : memref<10000x1xf32, #tpu.memory_space<vmem>>, vector<10000x1xf32>
    %mul3A_28 = vector.broadcast %get3A_27 : vector<10000x1xf32> to vector<10000x64xf32>
    %mul3A_29 = arith.mulf %dot_general3A_24, %mul3A_28 : vector<10000x64xf32>
    %swap3A = arith.constant 0 : index
    %swap3A_30 = arith.constant 0 : index
    %swap3A_31 = vector.load %arg4[%swap3A, %swap3A_30] : memref<10000x64xf32, #tpu.memory_space<vmem>>, vector<10000x64xf32>
    tpu.vector_store %arg4[%swap3A, %swap3A_30], %mul3A_29 {strides = array<i32>} : memref<10000x64xf32, #tpu.memory_space<vmem>>, vector<10000x64xf32>,
    return
  }
}

module attributes {stable_mosaic.version = 14 : i64} {
  func.func @body(%arg0: memref<2x10000x64xf32, #tpu.memory_space<vmem>>, %arg1: memref<10000x1xf32, #tpu.memory_space<vmem>>, %arg2: memref<64xf32, #tpu.memory_space<vmem>>, %arg3: memref<10000x64xf32, #tpu.memory_space<vmem>>) attributes {dimension_semantics = [], scalar_prefetch = 0 : i64, scratch_operands = 0 : i64, tpu.core_type = #tpu.core_type<tc>} {
    %get3A = arith.constant 0 : index
    %get3A_0 = arith.constant 0 : index
    %get3A_1 = arith.constant 0 : index
    %get3A_2 = vector.load %arg0[%get3A, %get3A_0, %get3A_1] : memref<2x10000x64xf32, #tpu.memory_space<vmem>>, vector<1x10000x64xf32>
    %get3A_3 = vector.shape_cast %get3A_2 : vector<1x10000x64xf32> to vector<10000x64xf32>
    %get3A_4 = arith.constant 1 : index
    %get3A_5 = arith.constant 0 : index
    %get3A_6 = arith.constant 0 : index
    %get3A_7 = vector.load %arg0[%get3A_4, %get3A_5, %get3A_6] : memref<2x10000x64xf32, #tpu.memory_space<vmem>>, vector<1x10000x64xf32>
    %get3A_8 = vector.shape_cast %get3A_7 : vector<1x10000x64xf32> to vector<10000x64xf32>
    %add3A = arith.addf %get3A_3, %get3A_8 : vector<10000x64xf32>
    %get3A_9 = arith.constant 0 : index
    %get3A_10 = arith.constant 0 : index
    %get3A_11 = vector.load %arg1[%get3A_9, %get3A_10] : memref<10000x1xf32, #tpu.memory_space<vmem>>, vector<10000x1xf32>
    %mul3A = vector.broadcast %get3A_11 : vector<10000x1xf32> to vector<10000x64xf32>
    %mul3A_12 = arith.mulf %add3A, %mul3A : vector<10000x64xf32>
    %get3A_13 = arith.constant 0 : index
    %get3A_14 = vector.load %arg2[%get3A_13] : memref<64xf32, #tpu.memory_space<vmem>>, vector<64xf32>
    %broadcast_in_dim3A = vector.shape_cast %get3A_14 : vector<64xf32> to vector<1x64xf32>
    %add3A_15 = vector.broadcast %broadcast_in_dim3A : vector<1x64xf32> to vector<10000x64xf32>
    %add3A_16 = arith.addf %mul3A_12, %add3A_15 : vector<10000x64xf32>
    %swap3A = arith.constant 0 : index
    %swap3A_17 = arith.constant 0 : index
    %swap3A_18 = vector.load %arg3[%swap3A, %swap3A_17] : memref<10000x64xf32, #tpu.memory_space<vmem>>, vector<10000x64xf32>
    tpu.vector_store %arg3[%swap3A, %swap3A_17], %add3A_16 {strides = array<i32>} : memref<10000x64xf32, #tpu.memory_space<vmem>>, vector<10000x64xf32>,
    return
  }
}

</mosaic_0001>

<sc_bundles>
// kernel: kernel.11.cloned.1.call-start
scs
__scs_entry_jumppad:
0x0: {  	(pc) =	sbr.rel $0x88, $3  }
0x1: {  	(tag) =	ssettag $0x0;
	lr =	simm.s32 $0x1  }
0x2: {  	[smem:$0x3F9B] =	sst lr;
	_ =	strace $0xD0000000  }
0x3: {  	_ = 	snop  }
0x4: {  	_ = 	snop  }
0x5: {  	_ = 	snop  }
0x6: {  	_ = 	snop  }
0x7: {  	_ = 	snop  }
__scs_overlays_trampoline_lowered:
0x8: {  	[smem:$0x3FAA] =	sst s0  }
0x9: {  	[smem:$0x3FAB] =	sst s1  }
0xa: {  	[smem:$0x3FAC] =	sst s2  }
0xb: {  	[smem:$0x3FAD] =	sst s3  }
0xc: {  	[smem:$0x3FAE] =	sst s4  }
0xd: {  	[smem:$0x3FAF] =	sst s5  }
0xe: {  	[smem:$0x3FB0] =	sst s6  }
0xf: {  	[smem:$0x3FB1] =	sst s7  }
0x10: {  	[smem:$0x3FB2] =	sst s8  }
0x11: {  	[smem:$0x3FB3] =	sst s9;
	s0 =	simm.s32 @!p0 $0x0  }
0x12: {  	s1 =	sld [smem:$0x3F99];
	s0 =	simm.s32 @p0 $0x1  }
0x13: {  	[smem:$0x3FB4] =	sst s0;
	s0 =	simm.s32 @!p1 $0x0  }
0x14: {  	s2 =	sld [smem:$0x3F98];
	s0 =	simm.s32 @p1 $0x1  }
0x15: {  	[smem:$0x3FB5] =	sst s0;
	s0 =	simm.s32 @!p2 $0x0  }
0x16: {  	s3 =	sld [smem:$0x3FDB];
	s0 =	simm.s32 @p2 $0x1  }
0x17: {  	s4 =	simm.s32 $0x1BF5;
	[smem:$0x3FB7] =	sst s0  }
0x18: {  	s0 =	sld [smem:$0x3F9A];
	_ =	swait.ge [sflag:s4], $0x0  }
0x19: {  	s7 =	sld [smem:$0x3F9B]  }
0x1a: {  	s8 =	sadd.s32 $0xFFFFE003, lr  }
0x1b: {  	s9 =	sadd.s32 $0xFFFFFEF7, lr;
	s5 =	simm.s32 $0xFFFFFFFF;
	p2 =	slt.u32 s8, $0xFFFFF086  }
0x1c: {  	p1 =	slt.u32 s9, $0xF7A;
	s5 =	simm.s32 @!p2 $0x0  }
0x1d: {  	s5 =	simm.s32 @p1 $0x1;
	p0 =	seq.s32 s7, s2  }
0x1e: {  	s7 =	smul.u32 @!p0 $0xF7A, s2;
	p2 =	seq.s32 @!p0 s5, $0x0  }
0x1f: {  	s9 =	smul.u32 $0xF7A, s1;
	s8 =	simm.s32 @!p0 $0x1BF5;
	p2 =	por !p2, p0  }
0x20: {  	[sflag:s8] =	ssyncset.s32 @!p0 $0xFFFFF086;
	s6 =	sadd.s32 @!p0 s3, s7;
	s7 =	simm.s32 @!p0 $0x108  }
0x21: {  	s3 =	sadd.s32 s3, s9;
	s6 =	sadd.s32 @!p0 $0x88, s6;
	s7 =	simm.s32 @p2 $0x1082  }
0x22: {  	[simem:s7], [sflag:s8] =	dma.local @!p0 [hbm:s6], $0xF7A  }
0x23: {  	s9 =	sor.u32 $0xD0000000, s2;
	s6 =	simm.s32 $0x108;
	_ =	swait.ge @!p0 [sflag:s8], $0x0  }
0x24: {  	s3 =	sadd.s32 $0x88, s3;
	s6 =	simm.s32 @!p1 $0x1082;
	[sflag:s4] =	ssyncset.s32 $0xFFFFF086  }
0x25: {  	[simem:s6], [sflag:s4] =	dma.local [hbm:s3], $0xF7A  }
0x26: {  	[smem:$0x3F9B] =	sst s1;
	(tag) =	ssettag s2;
	_ =	strace s9  }
0x27: {  	s1 =	sld [smem:$0x3FAB]  }
0x28: {  	s2 =	sld [smem:$0x3FAC]  }
0x29: {  	s4 =	sld [smem:$0x3FAE]  }
0x2a: {  	p0 =	seq.s32 s5, $0x0;
	s5 =	sld [smem:$0x3FAF]  }
0x2b: {  	s6 =	sld [smem:$0x3FB0]  }
0x2c: {  	s7 =	sld [smem:$0x3FB1]  }
0x2d: {  	s3 =	simm.s32 $0x108;
	s8 =	sld [smem:$0x3FB2]  }
0x2e: {  	s3 =	simm.s32 @!p0 $0x1082;
	s9 =	sld [smem:$0x3FB3]  }
0x2f: {  	lr =	sadd.s32 s0, s3;
	s0 =	sld [smem:$0x3FAA]  }
0x30: {  	s3 =	sld [smem:$0x3FAD]  }
0x31: {  	[smem:$0x3FB6] =	sst s10  }
0x32: {  	s10 =	sld [smem:$0x3FB4];
	_ =	sdelay $0x3  }
0x33: {  	p0 =	seq.s32 s10, $0x1;
	s10 =	sld [smem:$0x3FB6];
	_ =	sdelay $0x3  }
0x34: {  	[smem:$0x3FB6] =	sst s10  }
0x35: {  	s10 =	sld [smem:$0x3FB5];
	_ =	sdelay $0x3  }
0x36: {  	p1 =	seq.s32 s10, $0x1;
	s10 =	sld [smem:$0x3FB6];
	_ =	sdelay $0x3  }
0x37: {  	[smem:$0x3FB6] =	sst s10  }
0x38: {  	s10 =	sld [smem:$0x3FB7]  }
0x39: {  	_ = 	snop;
	(pc) =	sbr.ind lr, $3  }
0x3a: {  	_ = 	snop  }
0x3b: {  	_ = 	snop  }
0x3c: {  	p2 =	seq.s32 s10, $0x1;
	s10 =	sld [smem:$0x3FB6]  }
0x3d: {  	_ =	shalt  }
0x3e: {  	_ =	shalt  }
0x3f: {  	_ =	shalt  }
0x40: {  	_ =	shalt  }
0x41: {  	_ =	shalt  }
0x42: {  	_ =	shalt  }
0x43: {  	_ =	shalt  }
0x44: {  	_ =	shalt  }
0x45: {  	_ =	shalt  }
0x46: {  	_ =	shalt  }
0x47: {  	_ =	shalt  }
0x48: {  	_ =	shalt  }
0x49: {  	_ =	shalt  }
0x4a: {  	_ =	shalt  }
0x4b: {  	_ =	shalt  }
0x4c: {  	_ =	shalt  }
0x4d: {  	_ =	shalt  }
0x4e: {  	_ =	shalt  }
0x4f: {  	_ =	shalt  }
0x50: {  	_ =	shalt  }
0x51: {  	_ =	shalt  }
0x52: {  	_ =	shalt  }
0x53: {  	_ =	shalt  }
0x54: {  	_ =	shalt  }
0x55: {  	_ =	shalt  }
0x56: {  	_ =	shalt  }
0x57: {  	_ =	shalt  }
0x58: {  	_ =	shalt  }
0x59: {  	_ =	shalt  }
0x5a: {  	_ =	shalt  }
0x5b: {  	_ =	shalt  }
0x5c: {  	_ =	shalt  }
0x5d: {  	_ =	shalt  }
0x5e: {  	_ =	shalt  }
0x5f: {  	_ =	shalt  }
0x60: {  	_ =	shalt  }
0x61: {  	_ =	shalt  }
0x62: {  	_ =	shalt  }
0x63: {  	_ =	shalt  }
0x64: {  	_ =	shalt  }
0x65: {  	_ =	shalt  }
0x66: {  	_ =	shalt  }
0x67: {  	_ =	shalt  }
0x68: {  	_ =	shalt  }
0x69: {  	_ =	shalt  }
0x6a: {  	_ =	shalt  }
0x6b: {  	_ =	shalt  }
0x6c: {  	_ =	shalt  }
0x6d: {  	_ =	shalt  }
0x6e: {  	_ =	shalt  }
0x6f: {  	_ =	shalt  }
0x70: {  	_ =	shalt  }
0x71: {  	_ =	shalt  }
0x72: {  	_ =	shalt  }
0x73: {  	_ =	shalt  }
0x74: {  	_ =	shalt  }
0x75: {  	_ =	shalt  }
0x76: {  	_ =	shalt  }
0x77: {  	_ =	shalt  }
0x78: {  	_ =	shalt  }
0x79: {  	_ =	shalt  }
0x7a: {  	_ =	shalt  }
0x7b: {  	_ =	shalt  }
0x7c: {  	_ =	shalt  }
0x7d: {  	_ =	shalt  }
0x7e: {  	_ =	shalt  }
0x7f: {  	_ =	shalt  }
0x80: {  	_ =	shalt  }
0x81: {  	_ =	shalt  }
0x82: {  	_ =	shalt  }
0x83: {  	_ =	shalt  }
0x84: {  	_ =	shalt  }
0x85: {  	_ =	shalt  }
0x86: {  	_ =	shalt  }
0x87: {  	_ =	shalt  }
.Lfunc_end0:
.L_simem_size_0:
called_computation.1_lowered:
.L_overlay_start_0:
0x88: {  	s2 =	sld [smem:$0x3FD9]  }
0x89: {  	s3 =	sld [smem:$0x3FFE];
	_ =	sdelay $0x1  }
0x8a: {  	s1 =	srdreg.scid  }
0x8b: {  	s0 =	sand.u32 $0x1, s1  }
0x8c: {  	s17 =	sshll.u32 s0, $0xA;
	s2 =	sadd.s32 s3, s2  }
0x8d: {  	s2 =	sadd.s32 s2, s17  }
0x8e: {  	[smem:$0x3FC2] =	sst s2  }
0x8f: {  	_ = 	snop  }
0x90: {  	s2 =	sld [smem:$0x3FD0];
	(tm) =	ssettm $0x1  }
0x91: {  	s18 =	sld [smem:$0x3FFB];
	_ =	sdelay $0x3  }
0x92: {  	_ =	strace s18  }
0x93: {  	s3 =	sld [smem:$0x3FFC];
	_ =	sdelay $0x3  }
0x94: {  	_ =	strace s3  }
0x95: {  	s3 =	sld [smem:$0x3FFD];
	_ =	sdelay $0x3  }
0x96: {  	_ =	strace s3  }
0x97: {  	_ =	strace $0x8FFFFFFF  }
0x98: {  	s19 =	sld [smem:$0x3FDB];
	_ =	sdelay $0x1  }
0x99: {  	s4 =	simm.s32 $_scs_section_size  }
0x9a: {  	s5 =	simm.s32 $_size__tile_overlayer_lowered;
	s6 =	simm.s32 $_tile_overlayer_lowered  }
0x9b: {  	s22 =	simm.s32 $0x1BFF;
	s21 =	sshll.u32 s6, $0x1;
	s3 =	sadd.s32 s4, s19  }
0x9c: {  	s7 =	simm.s32 $0x0;
	s20 =	sshll.u32 s5, $0x1;
	s5 =	sadd.s32 s21, s3  }
0x9d: {  	[timem:s7], [sflag:s22] =	dma.local [hbm:s5], s20  }
0x9e: {  	_ =	swait.ge [sflag:s22], s20  }
0x9f: {  	s4 =	ssub.s32 $0x0, s20;
	[sflag:s22] =	ssyncset.done $0x0  }
0xa0: {  	[sflag:s22] =	ssyncadd.s32 s4;
	_ =	sdelay $0x1  }
0xa1: {  	s23 =	simm.s32 $0x1B8B  }
0xa2: {  	_ =	swait.ge [sflag:s23], $0x1  }
0xa3: {  	[sflag:s23] =	ssyncset.done $0x0  }
0xa4: {  	s25 =	simm.s32 $0x1B8E;
	s24 =	sld [smem:$0x3FFE];
	[sflag:s23] =	ssyncadd.s32 $0xFFFFFFFF  }
0xa5: {  	s26 =	simm.s32 $execute0_lowered;
	[smem:$0x3FD2] =	sst s25  }
0xa6: {  	s5 =	sshll.u32 s26, $0x1;
	_ =	strace $0x80000049;
	[dreg:$0x1] =	wrdreg $0xFFFFFFFF  }
0xa7: {  	s28 =	simm.s32 $_size_execute0_lowered;
	s3 =	sadd.s32 s3, s5;
	[dreg:$0x0] =	wrdreg $0x0  }
0xa8: {  	s5 =	sshll.u32 s28, $0x1;
	[dreg:$0x2] =	wrdreg s3  }
0xa9: {  	[dreg:$0x3] =	wrdreg s5  }
0xaa: {  	[dreg:$0x4] =	wrdreg $0xC0  }
0xab: {  	_ =	task [dreg:s7], $0x5FFFF  }
0xac: {  	[dreg:$0x1] =	wrdreg $0xFFFFFFFF  }
0xad: {  	[dreg:$0x0] =	wrdreg $0x60  }
0xae: {  	[dreg:$0x2] =	wrdreg s24  }
0xaf: {  	[dreg:$0x3] =	wrdreg s2  }
0xb0: {  	[dreg:$0x4] =	wrdreg $0xC7000  }
0xb1: {  	[dreg:$0x5] =	wrdreg $0x9  }
0xb2: {  	_ =	task.clear_ibuf [dreg:s7], $0x6FFFF;
	_ =	strace $0x90000049  }
0xb3: {  	s29 =	simm.s32 $0x9;
	_ =	strace $0x8000004B  }
0xb4: {  	_ =	swait.ge [sflag:s29], $0x1  }
0xb5: {  	[sflag:s29] =	ssyncadd.s32 $0xFFFFFFFF  }
0xb6: {  	_ =	strace $0x9000004B  }
0xb7: {  	_ =	sfence  }
0xb8: {  	s30 =	sld [smem:$0x0];
	_ =	sdelay $0x2  }
0xb9: {  	s31 =	sshll.u32 s1, $0xD;
	s1 =	sshrl.u32 s1, $0x2  }
0xba: {  	s3 =	sand.u32 $0x4000, s31;
	s1 =	sadd.s32 s1, s30  }
0xbb: {  	s0 =	sor.u32 s3, s0;
	s1 =	sshll.u32 s1, $0x11  }
0xbc: {  	s0 =	sor.u32 s1, s0  }
0xbd: {  	s0 =	sadd.s32 $0x8F2B, s0  }
0xbe: {  	[sflag:s0] =	ssyncadd.remote.s32 $0x1  }
0xbf: {  	_ =	sfence.sel $0xFFFF  }
0xc0: {  	[dreg:$0x0] =	wrdreg $0xFFFFFFFF;
	(pc) =	sbr.abs _section_cstart, $3  }
0xc1: {  	[dreg:$0x1] =	wrdreg $0xFFFFFFFF  }
0xc2: {  	_ =	task.clear_ibuf [dreg:s7], $0x2FFFF;
	_ =	strace $0x9FFFFFFF  }
0xc3: {  	(tm) =	ssettm $0x7FFFFFFF  }
tec
execute0_lowered:
.L_overlay_start_1:
0x0: {  	(tag) =	ssettag $0x1  }
0x1: {  	s0 =	rddreg [dreg:$0x0]  }
0x2: {  	s2 =	rddreg [dreg:$0x1]  }
0x3: {  	s3 =	rddreg [dreg:$0x2];
	s10 =	stileid.u32;
	s4 =	simm.s32 $0x0  }
0x4: {  	s5 =	srdreg.scid;
	s12 =	simm.s32 $0x4;
	s17 =	simm.s32 $0x80  }
0x5: {  	s18 =	simm.s32 $0x400;
	s20 =	simm.s32 $0x50;
	s21 =	simm.s32 $0x4F00  }
0x6: {  	s22 =	simm.s32 $0x7700;
	s28 =	simm.s32 $0x3;
	s19 =	simm.s32 $0x4DF0  }
0x7: {  	s23 =	simm.s32 $0x4E40;
	s29 =	simm.s32 $0x0;
	s1 =	sshrl.u32 s10, $0x2  }
0x8: {  	s6 =	sand.u32 $0x1, s5;
	s24 =	sshll.u32 s10, $0x8;
	s7 =	smul.u32 $0x271, s10  }
0x9: {  	[smem:$0x7FF] =	sst s4;
	s30 =	sshll.u32 s10, $0x6;
	s1 =	smul.u32 $0x13C00, s1  }
0xa: {  	s8 =	sshll.u32 s6, $0x7;
	s5 =	sand.u32 $0x300, s24;
	s9 =	smul.u32 $0x4E2, s6  }
0xb: {  	_ =	strace $0x8000004A;
	s6 =	ssub.s32 $0x2, s6;
	s24 =	simm.s32 $0x9F00  }
0xc: {  	s5 =	sor.u32 s8, s5;
	s7 =	sshrl.u32 s7, $0x3;
	s26 =	sshrl.u32 s6, $0x1  }
0xd: {  	s1 =	sor.u32 s1, s5;
	s25 =	sadd.s32 s9, s7;
	s5 =	sadd.s32 $0x29A00, s0  }
0xe: {  	s7 =	sshll.u32 s7, $0xA;
	s31 =	ssub.s32 s6, s26;
	s6 =	sor.u32 $0x1C04, s30  }
0xf: {  	s26 =	simm.s32 $0x2;
	s1 =	sshrl.u32 s1, $0x3;
	s8 =	sshll.u32 s25, $0x7  }
0x10: {  	s11 =	sadd.s32 s7, s3;
	s10 =	smax.u32 s31, $0x1;
	s25 =	simm.s32 $0x1  }
0x11: {  	s1 =	sadd.s32 s1, s0;
	s0 =	sadd.s32 s8, s0;
	s13 =	sadd.s32 $0x4000, s11  }
0x12: {  	s14 =	sadd.s32 $0x8000, s11;
	s15 =	sadd.s32 $0xC000, s11;
	s16 =	sadd.s32 $0x10000, s11  }
0x13: {  	s11 =	sshrl.u32 s11, $0x3;
	s7 =	sadd.s32 $0x1FC00, s1;
	s8 =	sadd.s32 $0x15E00, s1  }
0x14: {  	s9 =	sadd.s32 $0x50C00, s0;
	s13 =	sshrl.u32 s13, $0x3;
	s14 =	sshrl.u32 s14, $0x3  }
0x15: {  	s15 =	sshrl.u32 s15, $0x3;
	s16 =	sshrl.u32 s16, $0x3;
	s1 =	simm.s32 $0x4DA0  }
.LBB2_1:
0x16: {  	[spmem:s11], [sflag:s6] =	dma.local [hbm:s2], $0x800  }
0x17: {  	_ =	swait.ge [sflag:s12], $0x800  }
0x18: {  	[sflag:s12] =	ssyncset.done $0x0  }
0x19: {  	[sflag:s12] =	ssyncadd.s32 $0xFFFFF800  }
0x1a: {  	[spmem:s13], [sflag:s6] =	dma.local [hbm:s2], $0x800  }
0x1b: {  	_ =	swait.ge [sflag:s12], $0x800  }
0x1c: {  	[sflag:s12] =	ssyncset.done $0x0  }
0x1d: {  	[sflag:s12] =	ssyncadd.s32 $0xFFFFF800  }
0x1e: {  	[spmem:s14], [sflag:s6] =	dma.local [hbm:s2], $0x800  }
0x1f: {  	_ =	swait.ge [sflag:s12], $0x800  }
0x20: {  	[sflag:s12] =	ssyncset.done $0x0  }
0x21: {  	[sflag:s12] =	ssyncadd.s32 $0xFFFFF800  }
0x22: {  	[spmem:s15], [sflag:s6] =	dma.local [hbm:s2], $0x800  }
0x23: {  	_ =	swait.ge [sflag:s12], $0x800  }
0x24: {  	[sflag:s12] =	ssyncset.done $0x0  }
0x25: {  	[sflag:s12] =	ssyncadd.s32 $0xFFFFF800  }
0x26: {  	[spmem:s16], [sflag:s6] =	dma.local [hbm:s2], $0x780  }
0x27: {  	_ =	swait.ge [sflag:s12], $0x780  }
0x28: {  	[sflag:s12] =	ssyncset.done $0x0  }
0x29: {  	[sflag:s12] =	ssyncadd.s32 $0xFFFFF880  }
0x2a: {  	[bflag:$0x0] =	sbarrier.arrive $0xFFFF  }
0x2b: {  	[tilespmem:s4], [sflag:$0x4] =	stream.strided.gather [hbm4b:s7+s17], $0x2780, s18, s17, $0x38;
	[tilespmem:$0x1FF80] =	vst v63  }
0x2c: {  	_ =	swait.ge [sflag:s12], $0x2780  }
0x2d: {  	[sflag:s12] =	ssyncset.done $0x0  }
0x2e: {  	s0 =	simm.s32 $0x2780;
	[sflag:s12] =	ssyncadd.s32 $0xFFFFD880  }
0x2f: {  	[tilespmem:s0], [sflag:$0x4] =	stream.strided.gather [hbm4b:s8+s17], $0x2780, s18, s17, $0x38;
	[tilespmem:$0x1FF80] =	vst v63  }
0x30: {  	_ =	swait.ge [sflag:s12], $0x2780  }
0x31: {  	[sflag:s12] =	ssyncset.done $0x0  }
0x32: {  	[sflag:s12] =	ssyncadd.s32 $0xFFFFD880  }
0x33: {  	[tilespmem:s21], [sflag:$0x1] =	stream.indirect.gather [hbm4b:s5+s20], $0x80, s4, s20, $0xb8;
	[tilespmem:$0x1FF80] =	vst v63  }
0x34: {  	_ = 	snop  }
0x35: {  	[tilespmem:s22], [sflag:$0x2] =	stream.indirect.gather [hbm4b:s5+s20], $0x80, s20, s20, $0xb8;
	[tilespmem:$0x1FF80] =	vst v63  }
0x36: {  	s0 =	simm.s32 $0xA0  }
0x37: {  	[tilespmem:s24], [sflag:$0x3] =	stream.indirect.gather [hbm4b:s5+s20], $0x80, s0, s20, $0xb8;
	[tilespmem:$0x1FF80] =	vst v63  }
0x38: {  	_ =	swait.ge [sflag:s25], $0x2800  }
0x39: {  	[sflag:s25] =	ssyncset.done $0x0  }
0x3a: {  	s30 =	simm.s32 $0x2780;
	[sflag:s25] =	ssyncadd.s32 $0xFFFFD800  }
0x3b: {  	[spmem:s3] =	stream.indirect.scatter.add.f32 [tilespmem:s21], [sflag:$0x4], $0x80, s30, s20, $0xb8;
	[tilespmem:$0x1FF80] =	vst v63  }
0x3c: {  	_ =	swait.ge [sflag:s12], $0x2800  }
0x3d: {  	[sflag:s12] =	ssyncset.done $0x0  }
0x3e: {  	s30 =	simm.s32 $0xF0;
	[sflag:s12] =	ssyncadd.s32 $0xFFFFD800  }
0x3f: {  	[tilespmem:s21], [sflag:$0x1] =	stream.indirect.gather [hbm4b:s5+s20], $0x80, s30, s20, $0xb8;
	[tilespmem:$0x1FF80] =	vst v63  }
0x40: {  	_ =	swait.ge [sflag:s26], $0x2800  }
0x41: {  	[sflag:s26] =	ssyncset.done $0x0  }
0x42: {  	s30 =	simm.s32 $0x27D0;
	[sflag:s26] =	ssyncadd.s32 $0xFFFFD800  }
0x43: {  	[spmem:s3] =	stream.indirect.scatter.add.f32 [tilespmem:s22], [sflag:$0x4], $0x80, s30, s20, $0xb8;
	[tilespmem:$0x1FF80] =	vst v63  }
0x44: {  	_ =	swait.ge [sflag:s12], $0x2800  }
0x45: {  	[sflag:s12] =	ssyncset.done $0x0  }
0x46: {  	s30 =	simm.s32 $0x140;
	[sflag:s12] =	ssyncadd.s32 $0xFFFFD800  }
0x47: {  	[tilespmem:s22], [sflag:$0x2] =	stream.indirect.gather [hbm4b:s5+s20], $0x80, s30, s20, $0xb8;
	[tilespmem:$0x1FF80] =	vst v63  }
0x48: {  	_ =	swait.ge [sflag:s28], $0x2800  }
0x49: {  	[sflag:s28] =	ssyncset.done $0x0  }
0x4a: {  	s30 =	simm.s32 $0x2820;
	[sflag:s28] =	ssyncadd.s32 $0xFFFFD800  }
0x4b: {  	[spmem:s3] =	stream.indirect.scatter.add.f32 [tilespmem:s24], [sflag:$0x4], $0x80, s30, s20, $0xb8;
	[tilespmem:$0x1FF80] =	vst v63  }
0x4c: {  	_ =	swait.ge [sflag:s12], $0x2800  }
0x4d: {  	[sflag:s12] =	ssyncset.done $0x0  }
0x4e: {  	s31 =	simm.s32 $0x190;
	s30 =	simm.s32 $0x3C0;
	[sflag:s12] =	ssyncadd.s32 $0xFFFFD800  }
.LBB2_2:
0x4f: {  	[tilespmem:s24], [sflag:$0x3] =	stream.indirect.gather [hbm4b:s5+s20], $0x80, s31, s20, $0xb8;
	[tilespmem:$0x1FF80] =	vst v63  }
0x50: {  	s31 =	smov.u32 s30  }
0x51: {  	p0 =	sne.s32 s30, $0x9240;
	s30 =	sadd.s32 $0x3C0, s30;
	_ =	swait.ge [sflag:s25], $0x2800  }
0x52: {  	s31 =	sshra.s32 s31, $0x2;
	[sflag:s25] =	ssyncset.done $0x0  }
0x53: {  	s0 =	sadd.s32 $0x2780, s31;
	[sflag:s25] =	ssyncadd.s32 $0xFFFFD800  }
0x54: {  	[spmem:s3] =	stream.indirect.scatter.add.f32 [tilespmem:s21], [sflag:$0x4], $0x80, s0, s20, $0xb8;
	[tilespmem:$0x1FF80] =	vst v63  }
0x55: {  	_ =	swait.ge [sflag:s12], $0x2800  }
0x56: {  	[sflag:s12] =	ssyncset.done $0x0  }
0x57: {  	s0 =	sadd.s32 $0xF0, s31;
	[sflag:s12] =	ssyncadd.s32 $0xFFFFD800  }
0x58: {  	[tilespmem:s21], [sflag:$0x1] =	stream.indirect.gather [hbm4b:s5+s20], $0x80, s0, s20, $0xb8;
	[tilespmem:$0x1FF80] =	vst v63  }
0x59: {  	_ =	swait.ge [sflag:s26], $0x2800  }
0x5a: {  	[sflag:s26] =	ssyncset.done $0x0  }
0x5b: {  	s0 =	sadd.s32 $0x27D0, s31;
	[sflag:s26] =	ssyncadd.s32 $0xFFFFD800  }
0x5c: {  	[spmem:s3] =	stream.indirect.scatter.add.f32 [tilespmem:s22], [sflag:$0x4], $0x80, s0, s20, $0xb8;
	[tilespmem:$0x1FF80] =	vst v63  }
0x5d: {  	_ =	swait.ge [sflag:s12], $0x2800  }
0x5e: {  	[sflag:s12] =	ssyncset.done $0x0  }
0x5f: {  	s0 =	sadd.s32 $0x140, s31;
	[sflag:s12] =	ssyncadd.s32 $0xFFFFD800  }
0x60: {  	[tilespmem:s22], [sflag:$0x2] =	stream.indirect.gather [hbm4b:s5+s20], $0x80, s0, s20, $0xb8;
	[tilespmem:$0x1FF80] =	vst v63  }
0x61: {  	_ =	swait.ge [sflag:s28], $0x2800  }
0x62: {  	[sflag:s28] =	ssyncset.done $0x0  }
.Ltmp0:
0x63: {  	s0 =	sadd.s32 $0x2820, s31;
	[sflag:s28] =	ssyncadd.s32 $0xFFFFD800;
	(pc) =	sbr.rel @p0 .LBB2_2-.Ltmp0, $4  }
0x64: {  	[spmem:s3] =	stream.indirect.scatter.add.f32 [tilespmem:s24], [sflag:$0x4], $0x80, s0, s20, $0xb8;
	[tilespmem:$0x1FF80] =	vst v63  }
0x65: {  	_ =	swait.ge [sflag:s12], $0x2800  }
0x66: {  	[sflag:s12] =	ssyncset.done $0x0  }
0x67: {  	s31 =	sadd.s32 $0x190, s31;
	[sflag:s12] =	ssyncadd.s32 $0xFFFFD800  }
0x68: {  	[tilespmem:s24], [sflag:$0x3] =	stream.indirect.gather [hbm4b:s5+s20], $0x80, s31, s20, $0xb8;
	[tilespmem:$0x1FF80] =	vst v63  }
0x69: {  	_ =	swait.ge [sflag:s25], $0x2800  }
0x6a: {  	[sflag:s25] =	ssyncset.done $0x0  }
0x6b: {  	s0 =	simm.s32 $0x4D00;
	[sflag:s25] =	ssyncadd.s32 $0xFFFFD800  }
0x6c: {  	[spmem:s3] =	stream.indirect.scatter.add.f32 [tilespmem:s21], [sflag:$0x4], $0x80, s0, s20, $0xb8;
	[tilespmem:$0x1FF80] =	vst v63  }
0x6d: {  	_ =	swait.ge [sflag:s12], $0x2800  }
0x6e: {  	[sflag:s12] =	ssyncset.done $0x0  }
0x6f: {  	s31 =	simm.s32 $0x2670;
	[sflag:s12] =	ssyncadd.s32 $0xFFFFD800  }
0x70: {  	[tilespmem:s21], [sflag:$0x1] =	stream.indirect.gather [hbm4b:s5+s20], $0x80, s31, s20, $0xb8;
	[tilespmem:$0x1FF80] =	vst v63  }
0x71: {  	_ =	swait.ge [sflag:s26], $0x2800  }
0x72: {  	[sflag:s26] =	ssyncset.done $0x0  }
0x73: {  	s30 =	simm.s32 $0x4D50;
	[sflag:s26] =	ssyncadd.s32 $0xFFFFD800  }
0x74: {  	[spmem:s3] =	stream.indirect.scatter.add.f32 [tilespmem:s22], [sflag:$0x4], $0x80, s30, s20, $0xb8;
	[tilespmem:$0x1FF80] =	vst v63  }
0x75: {  	_ =	swait.ge [sflag:s12], $0x2800  }
0x76: {  	[sflag:s12] =	ssyncset.done $0x0  }
0x77: {  	s31 =	simm.s32 $0x26C0;
	[sflag:s12] =	ssyncadd.s32 $0xFFFFD800  }
0x78: {  	[tilespmem:s22], [sflag:$0x2] =	stream.indirect.gather [hbm4b:s5+s20], $0x80, s31, s20, $0xb8;
	[tilespmem:$0x1FF80] =	vst v63  }
0x79: {  	_ =	swait.ge [sflag:s28], $0x2800  }
0x7a: {  	[sflag:s28] =	ssyncset.done $0x0  }
0x7b: {  	[sflag:s28] =	ssyncadd.s32 $0xFFFFD800  }
0x7c: {  	[spmem:s3] =	stream.indirect.scatter.add.f32 [tilespmem:s24], [sflag:$0x4], $0x80, s1, s20, $0xb8;
	[tilespmem:$0x1FF80] =	vst v63  }
0x7d: {  	_ =	swait.ge [sflag:s12], $0x2800  }
0x7e: {  	[sflag:s12] =	ssyncset.done $0x0  }
0x7f: {  	[sflag:s12] =	ssyncadd.s32 $0xFFFFD800  }
0x80: {  	_ =	swait.ge [sflag:s25], $0x2800  }
0x81: {  	[sflag:s25] =	ssyncset.done $0x0  }
0x82: {  	[sflag:s25] =	ssyncadd.s32 $0xFFFFD800  }
0x83: {  	[spmem:s3] =	stream.indirect.scatter.add.f32 [tilespmem:s21], [sflag:$0x4], $0x80, s19, s20, $0xb8;
	[tilespmem:$0x1FF80] =	vst v63  }
0x84: {  	_ =	swait.ge [sflag:s12], $0x2800  }
0x85: {  	[sflag:s12] =	ssyncset.done $0x0  }
0x86: {  	[sflag:s12] =	ssyncadd.s32 $0xFFFFD800  }
0x87: {  	_ =	swait.ge [sflag:s26], $0x2800  }
0x88: {  	[sflag:s26] =	ssyncset.done $0x0  }
0x89: {  	[sflag:s26] =	ssyncadd.s32 $0xFFFFD800  }
0x8a: {  	[spmem:s3] =	stream.indirect.scatter.add.f32 [tilespmem:s22], [sflag:$0x4], $0x80, s23, s20, $0xb8;
	[tilespmem:$0x1FF80] =	vst v63  }
0x8b: {  	_ =	swait.ge [sflag:s12], $0x2800  }
0x8c: {  	s29 =	sadd.s32 $0x1, s29;
	[sflag:s12] =	ssyncset.done $0x0  }
0x8d: {  	p0 =	sne.s32 s29, s10;
	[sflag:s12] =	ssyncadd.s32 $0xFFFFD800  }
.Ltmp1:
0x8e: {  	[bflag:$0x0] =	sbarrier.arrive $0xFFFF;
	(pc) =	sbr.rel @p0 .LBB2_1-.Ltmp1, $4  }
0x8f: {  	[hbm:s9], [sflag:s6] =	dma.local [spmem:s11], $0x2780  }
0x90: {  	_ =	swait.ge [sflag:s12], $0x2780  }
0x91: {  	[sflag:s12] =	ssyncset.done $0x0  }
0x92: {  	[sflag:s12] =	ssyncadd.s32 $0xFFFFD880  }
0x93: {  	_ =	sfence.sel $0x180000  }
0x94: {  	[bflag:$0x0] =	sbarrier.arrive $0xFFFF  }
0x95: {  	_ =	strace $0x9000004A  }
0x96: {  	s0 =	stileid.u32;
	[bflag:$0x2] =	sbarrier.arrive $0xFFFF  }
0x97: {  	p0 =	sne.s32 s0, $0x0;
	s0 =	rddreg [dreg:$0x3]  }
0x98: {  	s0 =	sadd.s32 @!p0 $0x100000, s0  }
0x99: {  	[sflag:s0] =	ssyncadd.tile.s32 @!p0 $0x1;
	_ =	shalt  }
.Lfunc_end2:
_tile_overlayer_lowered:
.L_overlay_start_2:
0x9a: {  	(tag) =	ssettag $0x2  }
0x9b: {  	s0 =	rddreg [dreg:$0x0];
	s2 =	stileid.u32  }
0x9c: {  	s1 =	rddreg [dreg:$0x1];
	p0 =	sne.s32 s2, $0x0  }
0x9d: {  	s3 =	rddreg [dreg:$0x2];
	[bflag:$0x3] =	sbarrier.arrive $0xFFFF;
	s2 =	simm.s32 @!p0 $0x1C04  }
0x9e: {  	[timem:s3], [sflag:s2] =	dma.local @!p0 [hbm:s0], s1  }
0x9f: {  	s0 =	simm.s32 @!p0 $0x4  }
0xa0: {  	_ =	swait.ge @!p0 [sflag:s0], s1  }
0xa1: {  	s1 =	ssub.s32 @!p0 $0x0, s1;
	[sflag:s0] =	ssyncset.done @!p0 $0x0  }
0xa2: {  	[sflag:s0] =	ssyncadd.s32 @!p0 s1  }
0xa3: {  	[bflag:$0x3] =	sbarrier.arrive $0xFFFF  }
0xa4: {  	_ =	shalt  }

// kernel: kernel.14.cloned.1.call-start
scs
__scs_entry_jumppad:
0x0: {  	(pc) =	sbr.rel $0x88, $3  }
0x1: {  	(tag) =	ssettag $0x0;
	lr =	simm.s32 $0x1  }
0x2: {  	[smem:$0x3F9B] =	sst lr;
	_ =	strace $0xD0000000  }
0x3: {  	_ = 	snop  }
0x4: {  	_ = 	snop  }
0x5: {  	_ = 	snop  }
0x6: {  	_ = 	snop  }
0x7: {  	_ = 	snop  }
__scs_overlays_trampoline_lowered:
0x8: {  	[smem:$0x3FAA] =	sst s0  }
0x9: {  	[smem:$0x3FAB] =	sst s1  }
0xa: {  	[smem:$0x3FAC] =	sst s2  }
0xb: {  	[smem:$0x3FAD] =	sst s3  }
0xc: {  	[smem:$0x3FAE] =	sst s4  }
0xd: {  	[smem:$0x3FAF] =	sst s5  }
0xe: {  	[smem:$0x3FB0] =	sst s6  }
0xf: {  	[smem:$0x3FB1] =	sst s7  }
0x10: {  	[smem:$0x3FB2] =	sst s8  }
0x11: {  	[smem:$0x3FB3] =	sst s9;
	s0 =	simm.s32 @!p0 $0x0  }
0x12: {  	s1 =	sld [smem:$0x3F99];
	s0 =	simm.s32 @p0 $0x1  }
0x13: {  	[smem:$0x3FB4] =	sst s0;
	s0 =	simm.s32 @!p1 $0x0  }
0x14: {  	s2 =	sld [smem:$0x3F98];
	s0 =	simm.s32 @p1 $0x1  }
0x15: {  	[smem:$0x3FB5] =	sst s0;
	s0 =	simm.s32 @!p2 $0x0  }
0x16: {  	s3 =	sld [smem:$0x3FDB];
	s0 =	simm.s32 @p2 $0x1  }
0x17: {  	s4 =	simm.s32 $0x1BF5;
	[smem:$0x3FB7] =	sst s0  }
0x18: {  	s0 =	sld [smem:$0x3F9A];
	_ =	swait.ge [sflag:s4], $0x0  }
0x19: {  	s7 =	sld [smem:$0x3F9B]  }
0x1a: {  	s8 =	sadd.s32 $0xFFFFE003, lr  }
0x1b: {  	s9 =	sadd.s32 $0xFFFFFEF7, lr;
	s5 =	simm.s32 $0xFFFFFFFF;
	p2 =	slt.u32 s8, $0xFFFFF086  }
0x1c: {  	p1 =	slt.u32 s9, $0xF7A;
	s5 =	simm.s32 @!p2 $0x0  }
0x1d: {  	s5 =	simm.s32 @p1 $0x1;
	p0 =	seq.s32 s7, s2  }
0x1e: {  	s7 =	smul.u32 @!p0 $0xF7A, s2;
	p2 =	seq.s32 @!p0 s5, $0x0  }
0x1f: {  	s9 =	smul.u32 $0xF7A, s1;
	s8 =	simm.s32 @!p0 $0x1BF5;
	p2 =	por !p2, p0  }
0x20: {  	[sflag:s8] =	ssyncset.s32 @!p0 $0xFFFFF086;
	s6 =	sadd.s32 @!p0 s3, s7;
	s7 =	simm.s32 @!p0 $0x108  }
0x21: {  	s3 =	sadd.s32 s3, s9;
	s6 =	sadd.s32 @!p0 $0x88, s6;
	s7 =	simm.s32 @p2 $0x1082  }
0x22: {  	[simem:s7], [sflag:s8] =	dma.local @!p0 [hbm:s6], $0xF7A  }
0x23: {  	s9 =	sor.u32 $0xD0000000, s2;
	s6 =	simm.s32 $0x108;
	_ =	swait.ge @!p0 [sflag:s8], $0x0  }
0x24: {  	s3 =	sadd.s32 $0x88, s3;
	s6 =	simm.s32 @!p1 $0x1082;
	[sflag:s4] =	ssyncset.s32 $0xFFFFF086  }
0x25: {  	[simem:s6], [sflag:s4] =	dma.local [hbm:s3], $0xF7A  }
0x26: {  	[smem:$0x3F9B] =	sst s1;
	(tag) =	ssettag s2;
	_ =	strace s9  }
0x27: {  	s1 =	sld [smem:$0x3FAB]  }
0x28: {  	s2 =	sld [smem:$0x3FAC]  }
0x29: {  	s4 =	sld [smem:$0x3FAE]  }
0x2a: {  	p0 =	seq.s32 s5, $0x0;
	s5 =	sld [smem:$0x3FAF]  }
0x2b: {  	s6 =	sld [smem:$0x3FB0]  }
0x2c: {  	s7 =	sld [smem:$0x3FB1]  }
0x2d: {  	s3 =	simm.s32 $0x108;
	s8 =	sld [smem:$0x3FB2]  }
0x2e: {  	s3 =	simm.s32 @!p0 $0x1082;
	s9 =	sld [smem:$0x3FB3]  }
0x2f: {  	lr =	sadd.s32 s0, s3;
	s0 =	sld [smem:$0x3FAA]  }
0x30: {  	s3 =	sld [smem:$0x3FAD]  }
0x31: {  	[smem:$0x3FB6] =	sst s10  }
0x32: {  	s10 =	sld [smem:$0x3FB4];
	_ =	sdelay $0x3  }
0x33: {  	p0 =	seq.s32 s10, $0x1;
	s10 =	sld [smem:$0x3FB6];
	_ =	sdelay $0x3  }
0x34: {  	[smem:$0x3FB6] =	sst s10  }
0x35: {  	s10 =	sld [smem:$0x3FB5];
	_ =	sdelay $0x3  }
0x36: {  	p1 =	seq.s32 s10, $0x1;
	s10 =	sld [smem:$0x3FB6];
	_ =	sdelay $0x3  }
0x37: {  	[smem:$0x3FB6] =	sst s10  }
0x38: {  	s10 =	sld [smem:$0x3FB7]  }
0x39: {  	_ = 	snop;
	(pc) =	sbr.ind lr, $3  }
0x3a: {  	_ = 	snop  }
0x3b: {  	_ = 	snop  }
0x3c: {  	p2 =	seq.s32 s10, $0x1;
	s10 =	sld [smem:$0x3FB6]  }
0x3d: {  	_ =	shalt  }
0x3e: {  	_ =	shalt  }
0x3f: {  	_ =	shalt  }
0x40: {  	_ =	shalt  }
0x41: {  	_ =	shalt  }
0x42: {  	_ =	shalt  }
0x43: {  	_ =	shalt  }
0x44: {  	_ =	shalt  }
0x45: {  	_ =	shalt  }
0x46: {  	_ =	shalt  }
0x47: {  	_ =	shalt  }
0x48: {  	_ =	shalt  }
0x49: {  	_ =	shalt  }
0x4a: {  	_ =	shalt  }
0x4b: {  	_ =	shalt  }
0x4c: {  	_ =	shalt  }
0x4d: {  	_ =	shalt  }
0x4e: {  	_ =	shalt  }
0x4f: {  	_ =	shalt  }
0x50: {  	_ =	shalt  }
0x51: {  	_ =	shalt  }
0x52: {  	_ =	shalt  }
0x53: {  	_ =	shalt  }
0x54: {  	_ =	shalt  }
0x55: {  	_ =	shalt  }
0x56: {  	_ =	shalt  }
0x57: {  	_ =	shalt  }
0x58: {  	_ =	shalt  }
0x59: {  	_ =	shalt  }
0x5a: {  	_ =	shalt  }
0x5b: {  	_ =	shalt  }
0x5c: {  	_ =	shalt  }
0x5d: {  	_ =	shalt  }
0x5e: {  	_ =	shalt  }
0x5f: {  	_ =	shalt  }
0x60: {  	_ =	shalt  }
0x61: {  	_ =	shalt  }
0x62: {  	_ =	shalt  }
0x63: {  	_ =	shalt  }
0x64: {  	_ =	shalt  }
0x65: {  	_ =	shalt  }
0x66: {  	_ =	shalt  }
0x67: {  	_ =	shalt  }
0x68: {  	_ =	shalt  }
0x69: {  	_ =	shalt  }
0x6a: {  	_ =	shalt  }
0x6b: {  	_ =	shalt  }
0x6c: {  	_ =	shalt  }
0x6d: {  	_ =	shalt  }
0x6e: {  	_ =	shalt  }
0x6f: {  	_ =	shalt  }
0x70: {  	_ =	shalt  }
0x71: {  	_ =	shalt  }
0x72: {  	_ =	shalt  }
0x73: {  	_ =	shalt  }
0x74: {  	_ =	shalt  }
0x75: {  	_ =	shalt  }
0x76: {  	_ =	shalt  }
0x77: {  	_ =	shalt  }
0x78: {  	_ =	shalt  }
0x79: {  	_ =	shalt  }
0x7a: {  	_ =	shalt  }
0x7b: {  	_ =	shalt  }
0x7c: {  	_ =	shalt  }
0x7d: {  	_ =	shalt  }
0x7e: {  	_ =	shalt  }
0x7f: {  	_ =	shalt  }
0x80: {  	_ =	shalt  }
0x81: {  	_ =	shalt  }
0x82: {  	_ =	shalt  }
0x83: {  	_ =	shalt  }
0x84: {  	_ =	shalt  }
0x85: {  	_ =	shalt  }
0x86: {  	_ =	shalt  }
0x87: {  	_ =	shalt  }
.Lfunc_end0:
.L_simem_size_0:
called_computation.2_lowered:
.L_overlay_start_0:
0x88: {  	s2 =	sld [smem:$0x3FD9]  }
0x89: {  	s3 =	sld [smem:$0x3FFE];
	_ =	sdelay $0x1  }
0x8a: {  	s1 =	srdreg.scid  }
0x8b: {  	s0 =	sand.u32 $0x1, s1  }
0x8c: {  	s17 =	sshll.u32 s0, $0xA;
	s2 =	sadd.s32 s3, s2  }
0x8d: {  	s2 =	sadd.s32 s2, s17  }
0x8e: {  	[smem:$0x3FC2] =	sst s2  }
0x8f: {  	_ = 	snop  }
0x90: {  	s2 =	sld [smem:$0x3FD0];
	(tm) =	ssettm $0x1  }
0x91: {  	s18 =	sld [smem:$0x3FFB];
	_ =	sdelay $0x3  }
0x92: {  	_ =	strace s18  }
0x93: {  	s3 =	sld [smem:$0x3FFC];
	_ =	sdelay $0x3  }
0x94: {  	_ =	strace s3  }
0x95: {  	s3 =	sld [smem:$0x3FFD];
	_ =	sdelay $0x3  }
0x96: {  	_ =	strace s3  }
0x97: {  	_ =	strace $0x8FFFFFFF  }
0x98: {  	s19 =	sld [smem:$0x3FDB];
	_ =	sdelay $0x1  }
0x99: {  	s4 =	simm.s32 $_scs_section_size  }
0x9a: {  	s5 =	simm.s32 $_size__tile_overlayer_lowered;
	s6 =	simm.s32 $_tile_overlayer_lowered  }
0x9b: {  	s22 =	simm.s32 $0x1BFF;
	s21 =	sshll.u32 s6, $0x1;
	s3 =	sadd.s32 s4, s19  }
0x9c: {  	s7 =	simm.s32 $0x0;
	s20 =	sshll.u32 s5, $0x1;
	s5 =	sadd.s32 s21, s3  }
0x9d: {  	[timem:s7], [sflag:s22] =	dma.local [hbm:s5], s20  }
0x9e: {  	_ =	swait.ge [sflag:s22], s20  }
0x9f: {  	s4 =	ssub.s32 $0x0, s20;
	[sflag:s22] =	ssyncset.done $0x0  }
0xa0: {  	[sflag:s22] =	ssyncadd.s32 s4;
	_ =	sdelay $0x1  }
0xa1: {  	s23 =	simm.s32 $0x1B8B  }
0xa2: {  	_ =	swait.ge [sflag:s23], $0x1  }
0xa3: {  	[sflag:s23] =	ssyncset.done $0x0  }
0xa4: {  	s25 =	simm.s32 $0x1B8E;
	s24 =	sld [smem:$0x3FFE];
	[sflag:s23] =	ssyncadd.s32 $0xFFFFFFFF  }
0xa5: {  	s26 =	simm.s32 $execute0_lowered;
	[smem:$0x3FD2] =	sst s25  }
0xa6: {  	s5 =	sshll.u32 s26, $0x1;
	_ =	strace $0x8000004C;
	[dreg:$0x1] =	wrdreg $0xFFFFFFFF  }
0xa7: {  	s28 =	simm.s32 $_size_execute0_lowered;
	s3 =	sadd.s32 s3, s5;
	[dreg:$0x0] =	wrdreg $0x0  }
0xa8: {  	s5 =	sshll.u32 s28, $0x1;
	[dreg:$0x2] =	wrdreg s3  }
0xa9: {  	[dreg:$0x3] =	wrdreg s5  }
0xaa: {  	[dreg:$0x4] =	wrdreg $0xC0  }
0xab: {  	_ =	task [dreg:s7], $0x5FFFF  }
0xac: {  	[dreg:$0x1] =	wrdreg $0xFFFFFFFF  }
0xad: {  	[dreg:$0x0] =	wrdreg $0x60  }
0xae: {  	[dreg:$0x2] =	wrdreg s2  }
0xaf: {  	[dreg:$0x3] =	wrdreg s24  }
0xb0: {  	[dreg:$0x4] =	wrdreg $0xB2200  }
0xb1: {  	[dreg:$0x5] =	wrdreg $0x9  }
0xb2: {  	_ =	task.clear_ibuf [dreg:s7], $0x6FFFF;
	_ =	strace $0x9000004C  }
0xb3: {  	s29 =	simm.s32 $0x9;
	_ =	strace $0x8000004E  }
0xb4: {  	_ =	swait.ge [sflag:s29], $0x1  }
0xb5: {  	[sflag:s29] =	ssyncadd.s32 $0xFFFFFFFF  }
0xb6: {  	_ =	strace $0x9000004E  }
0xb7: {  	_ =	sfence  }
0xb8: {  	s30 =	sld [smem:$0x0];
	_ =	sdelay $0x2  }
0xb9: {  	s31 =	sshll.u32 s1, $0xD;
	s1 =	sshrl.u32 s1, $0x2  }
0xba: {  	s3 =	sand.u32 $0x4000, s31;
	s1 =	sadd.s32 s1, s30  }
0xbb: {  	s0 =	sor.u32 s3, s0;
	s1 =	sshll.u32 s1, $0x11  }
0xbc: {  	s0 =	sor.u32 s1, s0  }
0xbd: {  	s0 =	sadd.s32 $0x8F2B, s0  }
0xbe: {  	[sflag:s0] =	ssyncadd.remote.s32 $0x1  }
0xbf: {  	_ =	sfence.sel $0xFFFF  }
0xc0: {  	[dreg:$0x0] =	wrdreg $0xFFFFFFFF;
	(pc) =	sbr.abs _section_cstart, $3  }
0xc1: {  	[dreg:$0x1] =	wrdreg $0xFFFFFFFF  }
0xc2: {  	_ =	task.clear_ibuf [dreg:s7], $0x2FFFF;
	_ =	strace $0x9FFFFFFF  }
0xc3: {  	(tm) =	ssettm $0x7FFFFFFF  }
tec
execute0_lowered:
.L_overlay_start_1:
0x0: {  	(tag) =	ssettag $0x1  }
0x1: {  	s1 =	rddreg [dreg:$0x0]  }
0x2: {  	s0 =	rddreg [dreg:$0x1]  }
0x3: {  	s3 =	rddreg [dreg:$0x2]  }
0x4: {  	s2 =	srdreg.scid;
	s9 =	stileid.u32  }
0x5: {  	s4 =	simm.s32 $0x0;
	s12 =	simm.s32 $0x6;
	s18 =	simm.s32 $0x50  }
0x6: {  	s19 =	simm.s32 $0x4E20;
	s20 =	simm.s32 $0x6220;
	s22 =	simm.s32 $0x7620  }
0x7: {  	s24 =	simm.s32 $0x8A20;
	s28 =	simm.s32 $0x1;
	s29 =	simm.s32 $0x2  }
0x8: {  	s30 =	simm.s32 $0x3;
	s31 =	simm.s32 $0x4;
	s2 =	sand.u32 $0x1, s2  }
0x9: {  	s5 =	sshll.u32 s9, $0x1;
	s6 =	smul.u32 $0x9C40, s9;
	[smem:$0x7FF] =	sst s4  }
0xa: {  	s26 =	sshll.u32 s9, $0x6;
	s5 =	sor.u32 s2, s5;
	s7 =	smul.u32 $0x9C400, s2  }
0xb: {  	_ =	strace $0x8000004D;
	s2 =	ssub.s32 $0x2, s2;
	s6 =	sand.u32 $0xFFE00, s6  }
0xc: {  	s5 =	smul.u32 $0x4E2, s5;
	s25 =	sshrl.u32 s2, $0x1;
	s7 =	sadd.s32 s7, s6  }
0xd: {  	s2 =	ssub.s32 s2, s25;
	s11 =	sadd.s32 s6, s3;
	s6 =	sor.u32 $0x1C06, s26  }
0xe: {  	s26 =	simm.s32 $0x9E20;
	s25 =	simm.s32 $0x4DD0;
	s8 =	sadd.s32 s5, s0  }
0xf: {  	s7 =	sshrl.u32 s7, $0x3;
	s5 =	sadd.s32 $0x15A00, s0;
	s13 =	sadd.s32 $0x2000, s11  }
0x10: {  	s14 =	sadd.s32 $0x4000, s11;
	s15 =	sadd.s32 $0x6000, s11;
	s16 =	sadd.s32 $0x8000, s11  }
0x11: {  	s10 =	smax.u32 s2, $0x1;
	s11 =	sshrl.u32 s11, $0x3;
	s2 =	simm.s32 $0x0  }
0x12: {  	s0 =	sadd.s32 s7, s0;
	s7 =	sadd.s32 $0xBC00, s8;
	s8 =	sadd.s32 $0x1E00, s8  }
0x13: {  	s13 =	sshrl.u32 s13, $0x3;
	s14 =	sshrl.u32 s14, $0x3;
	s15 =	sshrl.u32 s15, $0x3  }
0x14: {  	s16 =	sshrl.u32 s16, $0x3;
	s9 =	sadd.s32 $0x15E00, s0;
	s0 =	simm.s32 $0x5  }
.LBB2_1:
0x15: {  	[spmem:s11], [sflag:s6] =	dma.local [hbm:s5], $0x400  }
0x16: {  	_ =	swait.ge [sflag:s12], $0x400  }
0x17: {  	[sflag:s12] =	ssyncset.done $0x0  }
0x18: {  	[sflag:s12] =	ssyncadd.s32 $0xFFFFFC00  }
0x19: {  	[spmem:s13], [sflag:s6] =	dma.local [hbm:s5], $0x400  }
0x1a: {  	_ =	swait.ge [sflag:s12], $0x400  }
0x1b: {  	[sflag:s12] =	ssyncset.done $0x0  }
0x1c: {  	[sflag:s12] =	ssyncadd.s32 $0xFFFFFC00  }
0x1d: {  	[spmem:s14], [sflag:s6] =	dma.local [hbm:s5], $0x400  }
0x1e: {  	_ =	swait.ge [sflag:s12], $0x400  }
0x1f: {  	[sflag:s12] =	ssyncset.done $0x0  }
0x20: {  	[sflag:s12] =	ssyncadd.s32 $0xFFFFFC00  }
0x21: {  	[spmem:s15], [sflag:s6] =	dma.local [hbm:s5], $0x400  }
0x22: {  	_ =	swait.ge [sflag:s12], $0x400  }
0x23: {  	[sflag:s12] =	ssyncset.done $0x0  }
0x24: {  	[sflag:s12] =	ssyncadd.s32 $0xFFFFFC00  }
0x25: {  	[spmem:s16], [sflag:s6] =	dma.local [hbm:s5], $0x3C0  }
0x26: {  	_ =	swait.ge [sflag:s12], $0x3C0  }
0x27: {  	[sflag:s12] =	ssyncset.done $0x0  }
0x28: {  	[sflag:s12] =	ssyncadd.s32 $0xFFFFFC40  }
0x29: {  	[bflag:$0x0] =	sbarrier.arrive $0xFFFF  }
0x2a: {  	[tilespmem:s4], [sflag:$0x6] =	stream.linear.gather [hbm4b:s7+s4], $0x2710, $0x38;
	[tilespmem:$0x14E60] =	vst v63  }
0x2b: {  	_ =	swait.ge [sflag:s12], $0x2710  }
0x2c: {  	[sflag:s12] =	ssyncset.done $0x0  }
0x2d: {  	s17 =	simm.s32 $0x2710;
	[sflag:s12] =	ssyncadd.s32 $0xFFFFD8F0  }
0x2e: {  	[tilespmem:s17], [sflag:$0x6] =	stream.linear.gather [hbm4b:s8+s4], $0x2710, $0x38;
	[tilespmem:$0x14E60] =	vst v63  }
0x2f: {  	_ =	swait.ge [sflag:s12], $0x2710  }
0x30: {  	[sflag:s12] =	ssyncset.done $0x0  }
0x31: {  	[sflag:s12] =	ssyncadd.s32 $0xFFFFD8F0  }
0x32: {  	[tilespmem:s19], [sflag:$0x1] =	stream.indirect.gather [hbm4b:s1+s18], $0x40, s4, s18, $0xb8;
	[tilespmem:$0x14E60] =	vst v63  }
0x33: {  	_ = 	snop  }
0x34: {  	[tilespmem:s20], [sflag:$0x2] =	stream.indirect.gather [hbm4b:s1+s18], $0x40, s18, s18, $0xb8;
	[tilespmem:$0x14E60] =	vst v63  }
0x35: {  	s21 =	simm.s32 $0xA0  }
0x36: {  	[tilespmem:s22], [sflag:$0x3] =	stream.indirect.gather [hbm4b:s1+s18], $0x40, s21, s18, $0xb8;
	[tilespmem:$0x14E60] =	vst v63  }
0x37: {  	s23 =	simm.s32 $0xF0  }
0x38: {  	[tilespmem:s24], [sflag:$0x4] =	stream.indirect.gather [hbm4b:s1+s18], $0x40, s23, s18, $0xb8;
	[tilespmem:$0x14E60] =	vst v63  }
0x39: {  	s21 =	simm.s32 $0x140  }
0x3a: {  	[tilespmem:s26], [sflag:$0x5] =	stream.indirect.gather [hbm4b:s1+s18], $0x40, s21, s18, $0xb8;
	[tilespmem:$0x14E60] =	vst v63  }
0x3b: {  	_ =	swait.ge [sflag:s28], $0x1400  }
0x3c: {  	[sflag:s28] =	ssyncset.done $0x0  }
0x3d: {  	s23 =	simm.s32 $0x2710;
	[sflag:s28] =	ssyncadd.s32 $0xFFFFEC00  }
0x3e: {  	[spmem:s3] =	stream.indirect.scatter.add.f32 [tilespmem:s19], [sflag:$0x6], $0x40, s23, s18, $0xb8;
	[tilespmem:$0x14E60] =	vst v63  }
0x3f: {  	_ =	swait.ge [sflag:s12], $0x1400  }
0x40: {  	[sflag:s12] =	ssyncset.done $0x0  }
0x41: {  	s21 =	simm.s32 $0x190;
	[sflag:s12] =	ssyncadd.s32 $0xFFFFEC00  }
0x42: {  	[tilespmem:s19], [sflag:$0x1] =	stream.indirect.gather [hbm4b:s1+s18], $0x40, s21, s18, $0xb8;
	[tilespmem:$0x14E60] =	vst v63  }
0x43: {  	_ =	swait.ge [sflag:s29], $0x1400  }
0x44: {  	[sflag:s29] =	ssyncset.done $0x0  }
0x45: {  	s23 =	simm.s32 $0x2760;
	[sflag:s29] =	ssyncadd.s32 $0xFFFFEC00  }
0x46: {  	[spmem:s3] =	stream.indirect.scatter.add.f32 [tilespmem:s20], [sflag:$0x6], $0x40, s23, s18, $0xb8;
	[tilespmem:$0x14E60] =	vst v63  }
0x47: {  	_ =	swait.ge [sflag:s12], $0x1400  }
0x48: {  	[sflag:s12] =	ssyncset.done $0x0  }
0x49: {  	s21 =	simm.s32 $0x1E0;
	[sflag:s12] =	ssyncadd.s32 $0xFFFFEC00  }
0x4a: {  	[tilespmem:s20], [sflag:$0x2] =	stream.indirect.gather [hbm4b:s1+s18], $0x40, s21, s18, $0xb8;
	[tilespmem:$0x14E60] =	vst v63  }
0x4b: {  	_ =	swait.ge [sflag:s30], $0x1400  }
0x4c: {  	[sflag:s30] =	ssyncset.done $0x0  }
0x4d: {  	s23 =	simm.s32 $0x27B0;
	[sflag:s30] =	ssyncadd.s32 $0xFFFFEC00  }
0x4e: {  	[spmem:s3] =	stream.indirect.scatter.add.f32 [tilespmem:s22], [sflag:$0x6], $0x40, s23, s18, $0xb8;
	[tilespmem:$0x14E60] =	vst v63  }
0x4f: {  	_ =	swait.ge [sflag:s12], $0x1400  }
0x50: {  	[sflag:s12] =	ssyncset.done $0x0  }
0x51: {  	s21 =	simm.s32 $0x230;
	[sflag:s12] =	ssyncadd.s32 $0xFFFFEC00  }
0x52: {  	[tilespmem:s22], [sflag:$0x3] =	stream.indirect.gather [hbm4b:s1+s18], $0x40, s21, s18, $0xb8;
	[tilespmem:$0x14E60] =	vst v63  }
0x53: {  	_ =	swait.ge [sflag:s31], $0x1400  }
0x54: {  	[sflag:s31] =	ssyncset.done $0x0  }
0x55: {  	s23 =	simm.s32 $0x2800;
	[sflag:s31] =	ssyncadd.s32 $0xFFFFEC00  }
0x56: {  	[spmem:s3] =	stream.indirect.scatter.add.f32 [tilespmem:s24], [sflag:$0x6], $0x40, s23, s18, $0xb8;
	[tilespmem:$0x14E60] =	vst v63  }
0x57: {  	_ =	swait.ge [sflag:s12], $0x1400  }
0x58: {  	[sflag:s12] =	ssyncset.done $0x0  }
0x59: {  	s21 =	simm.s32 $0x280;
	[sflag:s12] =	ssyncadd.s32 $0xFFFFEC00  }
0x5a: {  	[tilespmem:s24], [sflag:$0x4] =	stream.indirect.gather [hbm4b:s1+s18], $0x40, s21, s18, $0xb8;
	[tilespmem:$0x14E60] =	vst v63  }
0x5b: {  	_ =	swait.ge [sflag:s0], $0x1400  }
0x5c: {  	[sflag:s0] =	ssyncset.done $0x0  }
0x5d: {  	s23 =	simm.s32 $0x2850;
	[sflag:s0] =	ssyncadd.s32 $0xFFFFEC00  }
0x5e: {  	[spmem:s3] =	stream.indirect.scatter.add.f32 [tilespmem:s26], [sflag:$0x6], $0x40, s23, s18, $0xb8;
	[tilespmem:$0x14E60] =	vst v63  }
0x5f: {  	_ =	swait.ge [sflag:s12], $0x1400  }
0x60: {  	[sflag:s12] =	ssyncset.done $0x0  }
0x61: {  	s17 =	simm.s32 $0x640;
	s21 =	simm.s32 $0x2D0;
	[sflag:s12] =	ssyncadd.s32 $0xFFFFEC00  }
.LBB2_2:
0x62: {  	[tilespmem:s26], [sflag:$0x5] =	stream.indirect.gather [hbm4b:s1+s18], $0x40, s21, s18, $0xb8;
	[tilespmem:$0x14E60] =	vst v63  }
0x63: {  	s21 =	smov.u32 s17  }
0x64: {  	p0 =	sne.s32 s17, $0x8FC0;
	s17 =	sadd.s32 $0x640, s17;
	_ =	swait.ge [sflag:s28], $0x1400  }
0x65: {  	s21 =	sshra.s32 s21, $0x2;
	[sflag:s28] =	ssyncset.done $0x0  }
0x66: {  	s23 =	sadd.s32 $0x2710, s21;
	[sflag:s28] =	ssyncadd.s32 $0xFFFFEC00  }
0x67: {  	[spmem:s3] =	stream.indirect.scatter.add.f32 [tilespmem:s19], [sflag:$0x6], $0x40, s23, s18, $0xb8;
	[tilespmem:$0x14E60] =	vst v63  }
0x68: {  	_ =	swait.ge [sflag:s12], $0x1400  }
0x69: {  	[sflag:s12] =	ssyncset.done $0x0  }
0x6a: {  	s23 =	sadd.s32 $0x190, s21;
	[sflag:s12] =	ssyncadd.s32 $0xFFFFEC00  }
0x6b: {  	[tilespmem:s19], [sflag:$0x1] =	stream.indirect.gather [hbm4b:s1+s18], $0x40, s23, s18, $0xb8;
	[tilespmem:$0x14E60] =	vst v63  }
0x6c: {  	_ =	swait.ge [sflag:s29], $0x1400  }
0x6d: {  	[sflag:s29] =	ssyncset.done $0x0  }
0x6e: {  	s23 =	sadd.s32 $0x2760, s21;
	[sflag:s29] =	ssyncadd.s32 $0xFFFFEC00  }
0x6f: {  	[spmem:s3] =	stream.indirect.scatter.add.f32 [tilespmem:s20], [sflag:$0x6], $0x40, s23, s18, $0xb8;
	[tilespmem:$0x14E60] =	vst v63  }
0x70: {  	_ =	swait.ge [sflag:s12], $0x1400  }
0x71: {  	[sflag:s12] =	ssyncset.done $0x0  }
0x72: {  	s23 =	sadd.s32 $0x1E0, s21;
	[sflag:s12] =	ssyncadd.s32 $0xFFFFEC00  }
0x73: {  	[tilespmem:s20], [sflag:$0x2] =	stream.indirect.gather [hbm4b:s1+s18], $0x40, s23, s18, $0xb8;
	[tilespmem:$0x14E60] =	vst v63  }
0x74: {  	_ =	swait.ge [sflag:s30], $0x1400  }
0x75: {  	[sflag:s30] =	ssyncset.done $0x0  }
0x76: {  	s23 =	sadd.s32 $0x27B0, s21;
	[sflag:s30] =	ssyncadd.s32 $0xFFFFEC00  }
0x77: {  	[spmem:s3] =	stream.indirect.scatter.add.f32 [tilespmem:s22], [sflag:$0x6], $0x40, s23, s18, $0xb8;
	[tilespmem:$0x14E60] =	vst v63  }
0x78: {  	_ =	swait.ge [sflag:s12], $0x1400  }
0x79: {  	[sflag:s12] =	ssyncset.done $0x0  }
0x7a: {  	s23 =	sadd.s32 $0x230, s21;
	[sflag:s12] =	ssyncadd.s32 $0xFFFFEC00  }
0x7b: {  	[tilespmem:s22], [sflag:$0x3] =	stream.indirect.gather [hbm4b:s1+s18], $0x40, s23, s18, $0xb8;
	[tilespmem:$0x14E60] =	vst v63  }
0x7c: {  	_ =	swait.ge [sflag:s31], $0x1400  }
0x7d: {  	[sflag:s31] =	ssyncset.done $0x0  }
0x7e: {  	s23 =	sadd.s32 $0x2800, s21;
	[sflag:s31] =	ssyncadd.s32 $0xFFFFEC00  }
0x7f: {  	[spmem:s3] =	stream.indirect.scatter.add.f32 [tilespmem:s24], [sflag:$0x6], $0x40, s23, s18, $0xb8;
	[tilespmem:$0x14E60] =	vst v63  }
0x80: {  	_ =	swait.ge [sflag:s12], $0x1400  }
0x81: {  	[sflag:s12] =	ssyncset.done $0x0  }
0x82: {  	s23 =	sadd.s32 $0x280, s21;
	[sflag:s12] =	ssyncadd.s32 $0xFFFFEC00  }
0x83: {  	[tilespmem:s24], [sflag:$0x4] =	stream.indirect.gather [hbm4b:s1+s18], $0x40, s23, s18, $0xb8;
	[tilespmem:$0x14E60] =	vst v63  }
0x84: {  	_ =	swait.ge [sflag:s0], $0x1400  }
0x85: {  	[sflag:s0] =	ssyncset.done $0x0  }
.Ltmp0:
0x86: {  	s23 =	sadd.s32 $0x2850, s21;
	[sflag:s0] =	ssyncadd.s32 $0xFFFFEC00;
	(pc) =	sbr.rel @p0 .LBB2_2-.Ltmp0, $4  }
0x87: {  	[spmem:s3] =	stream.indirect.scatter.add.f32 [tilespmem:s26], [sflag:$0x6], $0x40, s23, s18, $0xb8;
	[tilespmem:$0x14E60] =	vst v63  }
0x88: {  	_ =	swait.ge [sflag:s12], $0x1400  }
0x89: {  	[sflag:s12] =	ssyncset.done $0x0  }
0x8a: {  	s21 =	sadd.s32 $0x2D0, s21;
	[sflag:s12] =	ssyncadd.s32 $0xFFFFEC00  }
0x8b: {  	[tilespmem:s26], [sflag:$0x5] =	stream.indirect.gather [hbm4b:s1+s18], $0x40, s21, s18, $0xb8;
	[tilespmem:$0x14E60] =	vst v63  }
0x8c: {  	_ =	swait.ge [sflag:s28], $0x1400  }
0x8d: {  	[sflag:s28] =	ssyncset.done $0x0  }
0x8e: {  	s17 =	simm.s32 $0x4C90;
	[sflag:s28] =	ssyncadd.s32 $0xFFFFEC00  }
0x8f: {  	[spmem:s3] =	stream.indirect.scatter.add.f32 [tilespmem:s19], [sflag:$0x6], $0x40, s17, s18, $0xb8;
	[tilespmem:$0x14E60] =	vst v63  }
0x90: {  	_ =	swait.ge [sflag:s12], $0x1400  }
0x91: {  	[sflag:s12] =	ssyncset.done $0x0  }
0x92: {  	[sflag:s12] =	ssyncadd.s32 $0xFFFFEC00  }
0x93: {  	_ =	swait.ge [sflag:s29], $0x1400  }
0x94: {  	[sflag:s29] =	ssyncset.done $0x0  }
0x95: {  	s23 =	simm.s32 $0x4CE0;
	[sflag:s29] =	ssyncadd.s32 $0xFFFFEC00  }
0x96: {  	[spmem:s3] =	stream.indirect.scatter.add.f32 [tilespmem:s20], [sflag:$0x6], $0x40, s23, s18, $0xb8;
	[tilespmem:$0x14E60] =	vst v63  }
0x97: {  	_ =	swait.ge [sflag:s12], $0x1400  }
0x98: {  	[sflag:s12] =	ssyncset.done $0x0  }
0x99: {  	[sflag:s12] =	ssyncadd.s32 $0xFFFFEC00  }
0x9a: {  	_ =	swait.ge [sflag:s30], $0x1400  }
0x9b: {  	[sflag:s30] =	ssyncset.done $0x0  }
0x9c: {  	s21 =	simm.s32 $0x4D30;
	[sflag:s30] =	ssyncadd.s32 $0xFFFFEC00  }
0x9d: {  	[spmem:s3] =	stream.indirect.scatter.add.f32 [tilespmem:s22], [sflag:$0x6], $0x40, s21, s18, $0xb8;
	[tilespmem:$0x14E60] =	vst v63  }
0x9e: {  	_ =	swait.ge [sflag:s12], $0x1400  }
0x9f: {  	[sflag:s12] =	ssyncset.done $0x0  }
0xa0: {  	[sflag:s12] =	ssyncadd.s32 $0xFFFFEC00  }
0xa1: {  	_ =	swait.ge [sflag:s31], $0x1400  }
0xa2: {  	[sflag:s31] =	ssyncset.done $0x0  }
0xa3: {  	s23 =	simm.s32 $0x4D80;
	[sflag:s31] =	ssyncadd.s32 $0xFFFFEC00  }
0xa4: {  	[spmem:s3] =	stream.indirect.scatter.add.f32 [tilespmem:s24], [sflag:$0x6], $0x40, s23, s18, $0xb8;
	[tilespmem:$0x14E60] =	vst v63  }
0xa5: {  	_ =	swait.ge [sflag:s12], $0x1400  }
0xa6: {  	[sflag:s12] =	ssyncset.done $0x0  }
0xa7: {  	[sflag:s12] =	ssyncadd.s32 $0xFFFFEC00  }
0xa8: {  	_ =	swait.ge [sflag:s0], $0x1400  }
0xa9: {  	[sflag:s0] =	ssyncset.done $0x0  }
0xaa: {  	[sflag:s0] =	ssyncadd.s32 $0xFFFFEC00  }
0xab: {  	[spmem:s3] =	stream.indirect.scatter.add.f32 [tilespmem:s26], [sflag:$0x6], $0x40, s25, s18, $0xb8;
	[tilespmem:$0x14E60] =	vst v63  }
0xac: {  	_ =	swait.ge [sflag:s12], $0x1400  }
0xad: {  	s2 =	sadd.s32 $0x1, s2;
	[sflag:s12] =	ssyncset.done $0x0  }
0xae: {  	p0 =	sne.s32 s2, s10;
	[sflag:s12] =	ssyncadd.s32 $0xFFFFEC00  }
.Ltmp1:
0xaf: {  	[bflag:$0x0] =	sbarrier.arrive $0xFFFF;
	(pc) =	sbr.rel @p0 .LBB2_1-.Ltmp1, $4  }
0xb0: {  	[hbm:s9], [sflag:s6] =	dma.local [spmem:s11], $0x13C0  }
0xb1: {  	_ =	swait.ge [sflag:s12], $0x13C0  }
0xb2: {  	[sflag:s12] =	ssyncset.done $0x0  }
0xb3: {  	[sflag:s12] =	ssyncadd.s32 $0xFFFFEC40  }
0xb4: {  	_ =	sfence.sel $0x180000  }
0xb5: {  	[bflag:$0x0] =	sbarrier.arrive $0xFFFF  }
0xb6: {  	_ =	strace $0x9000004D  }
0xb7: {  	s0 =	stileid.u32;
	[bflag:$0x2] =	sbarrier.arrive $0xFFFF  }
0xb8: {  	p0 =	sne.s32 s0, $0x0;
	s0 =	rddreg [dreg:$0x3]  }
0xb9: {  	s0 =	sadd.s32 @!p0 $0x100000, s0  }
0xba: {  	[sflag:s0] =	ssyncadd.tile.s32 @!p0 $0x1;
	_ =	shalt  }
.Lfunc_end2:
_tile_overlayer_lowered:
.L_overlay_start_2:
0xbb: {  	(tag) =	ssettag $0x2  }
0xbc: {  	s0 =	rddreg [dreg:$0x0];
	s2 =	stileid.u32  }
0xbd: {  	s1 =	rddreg [dreg:$0x1];
	p0 =	sne.s32 s2, $0x0  }
0xbe: {  	s3 =	rddreg [dreg:$0x2];
	[bflag:$0x3] =	sbarrier.arrive $0xFFFF;
	s2 =	simm.s32 @!p0 $0x1C06  }
0xbf: {  	[timem:s3], [sflag:s2] =	dma.local @!p0 [hbm:s0], s1  }
0xc0: {  	s0 =	simm.s32 @!p0 $0x6  }
0xc1: {  	_ =	swait.ge @!p0 [sflag:s0], s1  }
0xc2: {  	s1 =	ssub.s32 @!p0 $0x0, s1;
	[sflag:s0] =	ssyncset.done @!p0 $0x0  }
0xc3: {  	[sflag:s0] =	ssyncadd.s32 @!p0 s1  }
0xc4: {  	[bflag:$0x3] =	sbarrier.arrive $0xFFFF  }
0xc5: {  	_ =	shalt  }

// kernel: kernel.8.cloned.1.call-start
scs
__scs_entry_jumppad:
0x0: {  	(pc) =	sbr.rel $0x88, $3  }
0x1: {  	(tag) =	ssettag $0x0;
	lr =	simm.s32 $0x1  }
0x2: {  	[smem:$0x3F9B] =	sst lr;
	_ =	strace $0xD0000000  }
0x3: {  	_ = 	snop  }
0x4: {  	_ = 	snop  }
0x5: {  	_ = 	snop  }
0x6: {  	_ = 	snop  }
0x7: {  	_ = 	snop  }
__scs_overlays_trampoline_lowered:
0x8: {  	[smem:$0x3FAA] =	sst s0  }
0x9: {  	[smem:$0x3FAB] =	sst s1  }
0xa: {  	[smem:$0x3FAC] =	sst s2  }
0xb: {  	[smem:$0x3FAD] =	sst s3  }
0xc: {  	[smem:$0x3FAE] =	sst s4  }
0xd: {  	[smem:$0x3FAF] =	sst s5  }
0xe: {  	[smem:$0x3FB0] =	sst s6  }
0xf: {  	[smem:$0x3FB1] =	sst s7  }
0x10: {  	[smem:$0x3FB2] =	sst s8  }
0x11: {  	[smem:$0x3FB3] =	sst s9;
	s0 =	simm.s32 @!p0 $0x0  }
0x12: {  	s1 =	sld [smem:$0x3F99];
	s0 =	simm.s32 @p0 $0x1  }
0x13: {  	[smem:$0x3FB4] =	sst s0;
	s0 =	simm.s32 @!p1 $0x0  }
0x14: {  	s2 =	sld [smem:$0x3F98];
	s0 =	simm.s32 @p1 $0x1  }
0x15: {  	[smem:$0x3FB5] =	sst s0;
	s0 =	simm.s32 @!p2 $0x0  }
0x16: {  	s3 =	sld [smem:$0x3FDB];
	s0 =	simm.s32 @p2 $0x1  }
0x17: {  	s4 =	simm.s32 $0x1BF5;
	[smem:$0x3FB7] =	sst s0  }
0x18: {  	s0 =	sld [smem:$0x3F9A];
	_ =	swait.ge [sflag:s4], $0x0  }
0x19: {  	s7 =	sld [smem:$0x3F9B]  }
0x1a: {  	s8 =	sadd.s32 $0xFFFFE003, lr  }
0x1b: {  	s9 =	sadd.s32 $0xFFFFFEF7, lr;
	s5 =	simm.s32 $0xFFFFFFFF;
	p2 =	slt.u32 s8, $0xFFFFF086  }
0x1c: {  	p1 =	slt.u32 s9, $0xF7A;
	s5 =	simm.s32 @!p2 $0x0  }
0x1d: {  	s5 =	simm.s32 @p1 $0x1;
	p0 =	seq.s32 s7, s2  }
0x1e: {  	s7 =	smul.u32 @!p0 $0xF7A, s2;
	p2 =	seq.s32 @!p0 s5, $0x0  }
0x1f: {  	s9 =	smul.u32 $0xF7A, s1;
	s8 =	simm.s32 @!p0 $0x1BF5;
	p2 =	por !p2, p0  }
0x20: {  	[sflag:s8] =	ssyncset.s32 @!p0 $0xFFFFF086;
	s6 =	sadd.s32 @!p0 s3, s7;
	s7 =	simm.s32 @!p0 $0x108  }
0x21: {  	s3 =	sadd.s32 s3, s9;
	s6 =	sadd.s32 @!p0 $0x88, s6;
	s7 =	simm.s32 @p2 $0x1082  }
0x22: {  	[simem:s7], [sflag:s8] =	dma.local @!p0 [hbm:s6], $0xF7A  }
0x23: {  	s9 =	sor.u32 $0xD0000000, s2;
	s6 =	simm.s32 $0x108;
	_ =	swait.ge @!p0 [sflag:s8], $0x0  }
0x24: {  	s3 =	sadd.s32 $0x88, s3;
	s6 =	simm.s32 @!p1 $0x1082;
	[sflag:s4] =	ssyncset.s32 $0xFFFFF086  }
0x25: {  	[simem:s6], [sflag:s4] =	dma.local [hbm:s3], $0xF7A  }
0x26: {  	[smem:$0x3F9B] =	sst s1;
	(tag) =	ssettag s2;
	_ =	strace s9  }
0x27: {  	s1 =	sld [smem:$0x3FAB]  }
0x28: {  	s2 =	sld [smem:$0x3FAC]  }
0x29: {  	s4 =	sld [smem:$0x3FAE]  }
0x2a: {  	p0 =	seq.s32 s5, $0x0;
	s5 =	sld [smem:$0x3FAF]  }
0x2b: {  	s6 =	sld [smem:$0x3FB0]  }
0x2c: {  	s7 =	sld [smem:$0x3FB1]  }
0x2d: {  	s3 =	simm.s32 $0x108;
	s8 =	sld [smem:$0x3FB2]  }
0x2e: {  	s3 =	simm.s32 @!p0 $0x1082;
	s9 =	sld [smem:$0x3FB3]  }
0x2f: {  	lr =	sadd.s32 s0, s3;
	s0 =	sld [smem:$0x3FAA]  }
0x30: {  	s3 =	sld [smem:$0x3FAD]  }
0x31: {  	[smem:$0x3FB6] =	sst s10  }
0x32: {  	s10 =	sld [smem:$0x3FB4];
	_ =	sdelay $0x3  }
0x33: {  	p0 =	seq.s32 s10, $0x1;
	s10 =	sld [smem:$0x3FB6];
	_ =	sdelay $0x3  }
0x34: {  	[smem:$0x3FB6] =	sst s10  }
0x35: {  	s10 =	sld [smem:$0x3FB5];
	_ =	sdelay $0x3  }
0x36: {  	p1 =	seq.s32 s10, $0x1;
	s10 =	sld [smem:$0x3FB6];
	_ =	sdelay $0x3  }
0x37: {  	[smem:$0x3FB6] =	sst s10  }
0x38: {  	s10 =	sld [smem:$0x3FB7]  }
0x39: {  	_ = 	snop;
	(pc) =	sbr.ind lr, $3  }
0x3a: {  	_ = 	snop  }
0x3b: {  	_ = 	snop  }
0x3c: {  	p2 =	seq.s32 s10, $0x1;
	s10 =	sld [smem:$0x3FB6]  }
0x3d: {  	_ =	shalt  }
0x3e: {  	_ =	shalt  }
0x3f: {  	_ =	shalt  }
0x40: {  	_ =	shalt  }
0x41: {  	_ =	shalt  }
0x42: {  	_ =	shalt  }
0x43: {  	_ =	shalt  }
0x44: {  	_ =	shalt  }
0x45: {  	_ =	shalt  }
0x46: {  	_ =	shalt  }
0x47: {  	_ =	shalt  }
0x48: {  	_ =	shalt  }
0x49: {  	_ =	shalt  }
0x4a: {  	_ =	shalt  }
0x4b: {  	_ =	shalt  }
0x4c: {  	_ =	shalt  }
0x4d: {  	_ =	shalt  }
0x4e: {  	_ =	shalt  }
0x4f: {  	_ =	shalt  }
0x50: {  	_ =	shalt  }
0x51: {  	_ =	shalt  }
0x52: {  	_ =	shalt  }
0x53: {  	_ =	shalt  }
0x54: {  	_ =	shalt  }
0x55: {  	_ =	shalt  }
0x56: {  	_ =	shalt  }
0x57: {  	_ =	shalt  }
0x58: {  	_ =	shalt  }
0x59: {  	_ =	shalt  }
0x5a: {  	_ =	shalt  }
0x5b: {  	_ =	shalt  }
0x5c: {  	_ =	shalt  }
0x5d: {  	_ =	shalt  }
0x5e: {  	_ =	shalt  }
0x5f: {  	_ =	shalt  }
0x60: {  	_ =	shalt  }
0x61: {  	_ =	shalt  }
0x62: {  	_ =	shalt  }
0x63: {  	_ =	shalt  }
0x64: {  	_ =	shalt  }
0x65: {  	_ =	shalt  }
0x66: {  	_ =	shalt  }
0x67: {  	_ =	shalt  }
0x68: {  	_ =	shalt  }
0x69: {  	_ =	shalt  }
0x6a: {  	_ =	shalt  }
0x6b: {  	_ =	shalt  }
0x6c: {  	_ =	shalt  }
0x6d: {  	_ =	shalt  }
0x6e: {  	_ =	shalt  }
0x6f: {  	_ =	shalt  }
0x70: {  	_ =	shalt  }
0x71: {  	_ =	shalt  }
0x72: {  	_ =	shalt  }
0x73: {  	_ =	shalt  }
0x74: {  	_ =	shalt  }
0x75: {  	_ =	shalt  }
0x76: {  	_ =	shalt  }
0x77: {  	_ =	shalt  }
0x78: {  	_ =	shalt  }
0x79: {  	_ =	shalt  }
0x7a: {  	_ =	shalt  }
0x7b: {  	_ =	shalt  }
0x7c: {  	_ =	shalt  }
0x7d: {  	_ =	shalt  }
0x7e: {  	_ =	shalt  }
0x7f: {  	_ =	shalt  }
0x80: {  	_ =	shalt  }
0x81: {  	_ =	shalt  }
0x82: {  	_ =	shalt  }
0x83: {  	_ =	shalt  }
0x84: {  	_ =	shalt  }
0x85: {  	_ =	shalt  }
0x86: {  	_ =	shalt  }
0x87: {  	_ =	shalt  }
.Lfunc_end0:
.L_simem_size_0:
called_computation_lowered:
.L_overlay_start_0:
0x88: {  	s2 =	sld [smem:$0x3FD9]  }
0x89: {  	s3 =	sld [smem:$0x3FFE];
	_ =	sdelay $0x1  }
0x8a: {  	s1 =	srdreg.scid  }
0x8b: {  	s0 =	sand.u32 $0x1, s1  }
0x8c: {  	s17 =	sshll.u32 s0, $0xA;
	s2 =	sadd.s32 s3, s2  }
0x8d: {  	s2 =	sadd.s32 s2, s17  }
0x8e: {  	[smem:$0x3FC2] =	sst s2  }
0x8f: {  	_ = 	snop  }
0x90: {  	s2 =	sld [smem:$0x3FD0];
	(tm) =	ssettm $0x1  }
0x91: {  	s18 =	sld [smem:$0x3FFB];
	_ =	sdelay $0x3  }
0x92: {  	_ =	strace s18  }
0x93: {  	s3 =	sld [smem:$0x3FFC];
	_ =	sdelay $0x3  }
0x94: {  	_ =	strace s3  }
0x95: {  	s3 =	sld [smem:$0x3FFD];
	_ =	sdelay $0x3  }
0x96: {  	_ =	strace s3  }
0x97: {  	_ =	strace $0x8FFFFFFF  }
0x98: {  	s19 =	sld [smem:$0x3FDB];
	_ =	sdelay $0x1  }
0x99: {  	s4 =	simm.s32 $_scs_section_size  }
0x9a: {  	s5 =	simm.s32 $_size__tile_overlayer_lowered;
	s6 =	simm.s32 $_tile_overlayer_lowered  }
0x9b: {  	s22 =	simm.s32 $0x1BFF;
	s21 =	sshll.u32 s6, $0x1;
	s3 =	sadd.s32 s4, s19  }
0x9c: {  	s7 =	simm.s32 $0x0;
	s20 =	sshll.u32 s5, $0x1;
	s5 =	sadd.s32 s21, s3  }
0x9d: {  	[timem:s7], [sflag:s22] =	dma.local [hbm:s5], s20  }
0x9e: {  	_ =	swait.ge [sflag:s22], s20  }
0x9f: {  	s4 =	ssub.s32 $0x0, s20;
	[sflag:s22] =	ssyncset.done $0x0  }
0xa0: {  	[sflag:s22] =	ssyncadd.s32 s4;
	_ =	sdelay $0x1  }
0xa1: {  	s23 =	simm.s32 $0x1B8B  }
0xa2: {  	_ =	swait.ge [sflag:s23], $0x1  }
0xa3: {  	[sflag:s23] =	ssyncset.done $0x0  }
0xa4: {  	s25 =	simm.s32 $0x1B8E;
	s24 =	sld [smem:$0x3FFE];
	[sflag:s23] =	ssyncadd.s32 $0xFFFFFFFF  }
0xa5: {  	s26 =	simm.s32 $execute0_lowered;
	[smem:$0x3FD2] =	sst s25  }
0xa6: {  	s5 =	sshll.u32 s26, $0x1;
	_ =	strace $0x80000046;
	[dreg:$0x1] =	wrdreg $0xFFFFFFFF  }
0xa7: {  	s28 =	simm.s32 $_size_execute0_lowered;
	s3 =	sadd.s32 s3, s5;
	[dreg:$0x0] =	wrdreg $0x0  }
0xa8: {  	s5 =	sshll.u32 s28, $0x1;
	[dreg:$0x2] =	wrdreg s3  }
0xa9: {  	[dreg:$0x3] =	wrdreg s5  }
0xaa: {  	[dreg:$0x4] =	wrdreg $0xC0  }
0xab: {  	_ =	task [dreg:s7], $0x5FFFF  }
0xac: {  	[dreg:$0x1] =	wrdreg $0xFFFFFFFF  }
0xad: {  	[dreg:$0x0] =	wrdreg $0x60  }
0xae: {  	[dreg:$0x2] =	wrdreg s24  }
0xaf: {  	[dreg:$0x3] =	wrdreg s2  }
0xb0: {  	[dreg:$0x4] =	wrdreg $0x31100  }
0xb1: {  	[dreg:$0x5] =	wrdreg $0x9  }
0xb2: {  	_ =	task.clear_ibuf [dreg:s7], $0x6FFFF;
	_ =	strace $0x90000046  }
0xb3: {  	s29 =	simm.s32 $0x9;
	_ =	strace $0x80000048  }
0xb4: {  	_ =	swait.ge [sflag:s29], $0x1  }
0xb5: {  	[sflag:s29] =	ssyncadd.s32 $0xFFFFFFFF  }
0xb6: {  	_ =	strace $0x90000048  }
0xb7: {  	_ =	sfence  }
0xb8: {  	s30 =	sld [smem:$0x0];
	_ =	sdelay $0x2  }
0xb9: {  	s31 =	sshll.u32 s1, $0xD;
	s1 =	sshrl.u32 s1, $0x2  }
0xba: {  	s3 =	sand.u32 $0x4000, s31;
	s1 =	sadd.s32 s1, s30  }
0xbb: {  	s0 =	sor.u32 s3, s0;
	s1 =	sshll.u32 s1, $0x11  }
0xbc: {  	s0 =	sor.u32 s1, s0  }
0xbd: {  	s0 =	sadd.s32 $0x8F2B, s0  }
0xbe: {  	[sflag:s0] =	ssyncadd.remote.s32 $0x1  }
0xbf: {  	_ =	sfence.sel $0xFFFF  }
0xc0: {  	[dreg:$0x0] =	wrdreg $0xFFFFFFFF;
	(pc) =	sbr.abs _section_cstart, $3  }
0xc1: {  	[dreg:$0x1] =	wrdreg $0xFFFFFFFF  }
0xc2: {  	_ =	task.clear_ibuf [dreg:s7], $0x2FFFF;
	_ =	strace $0x9FFFFFFF  }
0xc3: {  	(tm) =	ssettm $0x7FFFFFFF  }
tec
execute0_lowered:
.L_overlay_start_1:
0x0: {  	(tag) =	ssettag $0x1  }
0x1: {  	s5 =	rddreg [dreg:$0x0]  }
0x2: {  	s8 =	rddreg [dreg:$0x1];
	s1 =	srdreg.scid  }
0x3: {  	s0 =	stileid.u32;
	s2 =	rddreg [dreg:$0x2]  }
0x4: {  	s3 =	simm.s32 $0x0;
	s18 =	simm.s32 $0x1;
	s19 =	simm.s32 $0x0  }
0x5: {  	s6 =	sand.u32 $0x1, s1;
	s4 =	sshll.u32 s0, $0x1;
	s1 =	rddreg [dreg:$0x3]  }
0x6: {  	[smem:$0x7FF] =	sst s3;
	s7 =	smul.u32 $0x4E20, s0;
	s13 =	sshll.u32 s0, $0x6  }
0x7: {  	s4 =	sor.u32 s6, s4;
	_ =	strace $0x80000047;
	s10 =	ssub.s32 $0x2, s6  }
0x8: {  	s14 =	smul.u32 $0x4E200, s6;
	s6 =	sor.u32 $0x1C02, s13;
	s7 =	sand.u32 $0x7FF00, s7  }
0x9: {  	s4 =	smul.u32 $0x4E2, s4;
	s11 =	sshrl.u32 s10, $0x1;
	s12 =	sadd.s32 s7, s2  }
0xa: {  	s10 =	ssub.s32 s10, s11;
	s30 =	sadd.s32 s14, s7;
	s11 =	simm.s32 $0x2  }
0xb: {  	s9 =	sadd.s32 s4, s5;
	s4 =	sadd.s32 $0x15A00, s5;
	s5 =	sadd.s32 $0x15C00, s5  }
0xc: {  	s29 =	sadd.s32 $0x1000, s12;
	s15 =	sadd.s32 $0x2000, s12;
	s16 =	sadd.s32 $0x3000, s12  }
0xd: {  	s17 =	sadd.s32 $0x4000, s12;
	s31 =	sshrl.u32 s30, $0x3;
	s7 =	sadd.s32 $0x1E00, s9  }
0xe: {  	s8 =	sadd.s32 s8, s31;
	s9 =	smax.u32 s10, $0x1;
	s10 =	sshrl.u32 s12, $0x3  }
0xf: {  	s12 =	sshrl.u32 s29, $0x3;
	s13 =	sshrl.u32 s15, $0x3;
	s14 =	sshrl.u32 s16, $0x3  }
0x10: {  	s15 =	sshrl.u32 s17, $0x3;
	s16 =	simm.s32 $0x2710;
	s17 =	simm.s32 $0x50  }
.LBB2_1:
0x11: {  	[spmem:s10], [sflag:s6] =	dma.local [hbm:s4], $0x200  }
0x12: {  	_ =	swait.ge [sflag:s11], $0x200  }
0x13: {  	[sflag:s11] =	ssyncset.done $0x0  }
0x14: {  	[sflag:s11] =	ssyncadd.s32 $0xFFFFFE00  }
0x15: {  	[spmem:s12], [sflag:s6] =	dma.local [hbm:s4], $0x200  }
0x16: {  	_ =	swait.ge [sflag:s11], $0x200  }
0x17: {  	[sflag:s11] =	ssyncset.done $0x0  }
0x18: {  	[sflag:s11] =	ssyncadd.s32 $0xFFFFFE00  }
0x19: {  	[spmem:s13], [sflag:s6] =	dma.local [hbm:s4], $0x200  }
0x1a: {  	_ =	swait.ge [sflag:s11], $0x200  }
0x1b: {  	[sflag:s11] =	ssyncset.done $0x0  }
0x1c: {  	[sflag:s11] =	ssyncadd.s32 $0xFFFFFE00  }
0x1d: {  	[spmem:s14], [sflag:s6] =	dma.local [hbm:s4], $0x200  }
0x1e: {  	_ =	swait.ge [sflag:s11], $0x200  }
0x1f: {  	[sflag:s11] =	ssyncset.done $0x0  }
0x20: {  	[sflag:s11] =	ssyncadd.s32 $0xFFFFFE00  }
0x21: {  	[spmem:s15], [sflag:s6] =	dma.local [hbm:s4], $0x1E0  }
0x22: {  	_ =	swait.ge [sflag:s11], $0x1E0  }
0x23: {  	[sflag:s11] =	ssyncset.done $0x0  }
0x24: {  	[sflag:s11] =	ssyncadd.s32 $0xFFFFFE20  }
0x25: {  	[tilespmem:s16], [sflag:$0x2] =	stream.linear.gather [hbm4b:s5+s3], $0xA00, $0x38;
	[tilespmem:$0x7F30] =	vst v63  }
0x26: {  	_ =	swait.ge [sflag:s11], $0xA00  }
0x27: {  	[sflag:s11] =	ssyncset.done $0x0  }
0x28: {  	[sflag:s11] =	ssyncadd.s32 $0xFFFFF600  }
0x29: {  	[bflag:$0x0] =	sbarrier.arrive $0xFFFF  }
0x2a: {  	[tilespmem:s3], [sflag:$0x2] =	stream.linear.gather [hbm4b:s7+s3], $0x2710, $0x38;
	[tilespmem:$0x7F30] =	vst v63  }
0x2b: {  	_ =	swait.ge [sflag:s11], $0x2710  }
0x2c: {  	[sflag:s11] =	ssyncset.done $0x0  }
0x2d: {  	s20 =	simm.s32 $0x0;
	[sflag:s11] =	ssyncadd.s32 $0xFFFFD8F0  }
.LBB2_2:
0x2e: {  	p0 =	sne.s32 s20, $0x9B00  }
.Ltmp0:
0x2f: {  	_ = 	snop;
	(pc) =	sbr.rel @p0 .LBB2_2-.Ltmp0, $3  }
0x30: {  	_ =	sdelay $0x1  }
0x31: {  	s21 =	sshra.s32 s20, $0x2;
	s20 =	sadd.s32 $0x140, s20  }
0x32: {  	[spmem:s2] =	stream.indirect.scatter.add.f32 [tilespmem:s16], [sflag:$0x1], $0x20, s21, s17, $0xb8;
	[tilespmem:$0x7F30] =	vst v63  }
0x33: {  	_ =	swait.ge [sflag:s18], $0xA00  }
0x34: {  	s20 =	simm.s32 $0x7C;
	[sflag:s18] =	ssyncset.done $0x0  }
.LBB2_4:
0x35: {  	p0 =	sne.s32 s20, $0x1;
	s20 =	sadd.s32 $0xFFFFFFFF, s20;
	[sflag:s18] =	ssyncadd.s32 $0xFFFFF600  }
.Ltmp1:
0x36: {  	(pc) =	sbr.rel @p0 .LBB2_4-.Ltmp1, $3  }
0x37: {  	_ =	sdelay $0x1  }
0x38: {  	_ =	swait.ge [sflag:s18], $0xA00  }
0x39: {  	[sflag:s18] =	ssyncset.done $0x0  }
0x3a: {  	s19 =	sadd.s32 $0x1, s19  }
0x3b: {  	[sflag:s18] =	ssyncadd.s32 $0xFFFFF600;
	p0 =	sne.s32 s19, s9  }
.Ltmp2:
0x3c: {  	[bflag:$0x0] =	sbarrier.arrive $0xFFFF;
	(pc) =	sbr.rel @p0 .LBB2_1-.Ltmp2, $4  }
0x3d: {  	[hbm:s8], [sflag:s6] =	dma.local [spmem:s10], $0x9E0  }
0x3e: {  	_ =	swait.ge [sflag:s11], $0x9E0  }
0x3f: {  	[sflag:s11] =	ssyncset.done $0x0  }
0x40: {  	[sflag:s11] =	ssyncadd.s32 $0xFFFFF620  }
0x41: {  	_ =	sfence.sel $0x180000  }
0x42: {  	[bflag:$0x0] =	sbarrier.arrive $0xFFFF  }
0x43: {  	p0 =	sne.s32 s0, $0x0;
	_ =	strace $0x90000047  }
0x44: {  	s0 =	sadd.s32 @!p0 $0x100000, s1;
	[bflag:$0x2] =	sbarrier.arrive $0xFFFF  }
0x45: {  	[sflag:s0] =	ssyncadd.tile.s32 @!p0 $0x1;
	_ =	shalt  }
.Lfunc_end2:
_tile_overlayer_lowered:
.L_overlay_start_2:
0x46: {  	(tag) =	ssettag $0x2  }
0x47: {  	s0 =	rddreg [dreg:$0x0];
	s2 =	stileid.u32  }
0x48: {  	s1 =	rddreg [dreg:$0x1];
	p0 =	sne.s32 s2, $0x0  }
0x49: {  	s3 =	rddreg [dreg:$0x2];
	[bflag:$0x3] =	sbarrier.arrive $0xFFFF;
	s2 =	simm.s32 @!p0 $0x1C02  }
0x4a: {  	[timem:s3], [sflag:s2] =	dma.local @!p0 [hbm:s0], s1  }
0x4b: {  	s0 =	simm.s32 @!p0 $0x2  }
0x4c: {  	_ =	swait.ge @!p0 [sflag:s0], s1  }
0x4d: {  	s1 =	ssub.s32 @!p0 $0x0, s1;
	[sflag:s0] =	ssyncset.done @!p0 $0x0  }
0x4e: {  	[sflag:s0] =	ssyncadd.s32 @!p0 s1  }
0x4f: {  	[bflag:$0x3] =	sbarrier.arrive $0xFFFF  }
0x50: {  	_ =	shalt  }

</sc_bundles>
